<compile_context>
chip_gen: v7x
topology: tpu7x:2x2x1
jax: 0.10.2.dev20260603
libtpu: 0.0.44.dev20260713+nightly
codegen_flags: <defaults>
</compile_context>

<pallas_src>
import functools

import jax
import jax.numpy as jnp
from jax import lax
from jax.experimental import pallas as pl
from jax.experimental.pallas import tpu as pltpu
from jax.experimental.pallas import tpu_sc as plsc

_CB = 128
_KG = 5
_KS = 2


def _sc_gather(Np, Ep, D, NC, NS, epw):
    mesh = plsc.VectorSubcoreMesh(core_axis_name="c", subcore_axis_name="s")
    nch = epw // _CB
    nit = nch // _KG

    @functools.partial(
        pl.kernel,
        mesh=mesh,
        compiler_params=pltpu.CompilerParams(use_tc_tiling_on_sc=True),
        out_type=jax.ShapeDtypeStruct((Ep, D), jnp.float32),
        scratch_types=[
            pltpu.VMEM((nch, _CB), jnp.int32),
            pltpu.VMEM((_KG, _CB, D), jnp.float32),
            pltpu.SemaphoreType.DMA,
        ]
        + [pltpu.SemaphoreType.DMA] * _KG
        + [pltpu.SemaphoreType.DMA] * _KG,
    )
    def gk(A_hbm, row3_hbm, out_hbm, ridx, bufs, isem,
           g0, g1, g2, g3, g4, s0, s1, s2, s3, s4):
        gsems = (g0, g1, g2, g3, g4)
        ssems = (s0, s1, s2, s3, s4)
        wid = lax.axis_index("s") * NC + lax.axis_index("c")
        base = wid * epw
        pltpu.async_copy(row3_hbm.at[wid], ridx, isem).wait()

        def outer(it, carry):
            gbase = it * _KG
            gh = [
                pltpu.async_copy(A_hbm.at[ridx.at[gbase + k]], bufs.at[k], gsems[k])
                for k in range(_KG)
            ]
            sh = []
            for k in range(_KG):
                gh[k].wait()
                sh.append(
                    pltpu.async_copy(
                        bufs.at[k],
                        out_hbm.at[pl.ds(base + (gbase + k) * _CB, _CB)],
                        ssems[k],
                    )
                )
            for k in range(_KG):
                sh[k].wait()
            return carry

        lax.fori_loop(0, nit, outer, 0)

    return gk


def _sc_scatter(Np, Ep, D, NC, NS, epw):
    mesh = plsc.VectorSubcoreMesh(core_axis_name="c", subcore_axis_name="s")
    nch = epw // _CB
    nit = nch // _KS
    rpt = Np // NS

    @functools.partial(
        pl.kernel,
        mesh=mesh,
        compiler_params=pltpu.CompilerParams(use_tc_tiling_on_sc=True),
        out_type=(
            jax.ShapeDtypeStruct((NC * Np, D), jnp.float32),
            jax.ShapeDtypeStruct((NC * Np,), jnp.float32),
        ),
        scratch_types=[
            pltpu.VMEM((nch, _CB), jnp.int32),
            pltpu.VMEM((_KS, _CB, D), jnp.float32),
            pltpu.VMEM((_CB,), jnp.float32),
            pltpu.VMEM_SHARED((Np, D), jnp.float32),
            pltpu.VMEM_SHARED((Np,), jnp.float32),
            pltpu.SemaphoreType.DMA,
        ]
        + [pltpu.SemaphoreType.DMA] * _KS
        + [pltpu.SemaphoreType.DMA] * _KS
        + [pltpu.SemaphoreType.DMA] * _KS,
    )
    def sk(R_hbm, col3_hbm, z2_hbm, z1_hbm, S_hbm, C_hbm,
           cidx, rbufs, ones_v, acc, cacc, isem,
           r0s, r1s, a0, a1, c0, c1):
        rsems = (r0s, r1s)
        asems = (a0, a1)
        csems = (c0, c1)
        cid = lax.axis_index("c")
        sid = lax.axis_index("s")
        wid = sid * NC + cid
        base = wid * epw
        r0 = sid * rpt
        pltpu.async_copy(col3_hbm.at[wid], cidx, isem)
        pltpu.sync_copy(z2_hbm.at[pl.ds(r0, rpt)], acc.at[pl.ds(r0, rpt)])
        pltpu.sync_copy(z1_hbm.at[pl.ds(r0, rpt)], cacc.at[pl.ds(r0, rpt)])
        for k in range(_CB // 16):
            ones_v[pl.ds(k * 16, 16)] = jnp.ones((16,), jnp.float32)
        pltpu.make_async_copy(col3_hbm.at[wid], cidx, isem).wait()
        plsc.subcore_barrier()

        def outer(it, carry):
            gbase = it * _KS
            lh = [
                pltpu.async_copy(
                    R_hbm.at[pl.ds(base + (gbase + k) * _CB, _CB)],
                    rbufs.at[k],
                    rsems[k],
                )
                for k in range(_KS)
            ]
            ah = []
            ch = []
            for k in range(_KS):
                lh[k].wait()
                ah.append(
                    pltpu.async_copy(
                        rbufs.at[k], acc.at[cidx.at[gbase + k]], asems[k], add=True
                    )
                )
                ch.append(
                    pltpu.async_copy(
                        ones_v, cacc.at[cidx.at[gbase + k]], csems[k], add=True
                    )
                )
            for k in range(_KS):
                ah[k].wait()
                ch[k].wait()
            return carry

        lax.fori_loop(0, nit, outer, 0)
        plsc.subcore_barrier()
        pltpu.sync_copy(acc.at[pl.ds(r0, rpt)], S_hbm.at[pl.ds(cid * Np + r0, rpt)])
        pltpu.sync_copy(cacc.at[pl.ds(r0, rpt)], C_hbm.at[pl.ds(cid * Np + r0, rpt)])

    return sk


def kernel(x, edge_index, edge_attr, u, batch, W1, b1, W2, b2, W3, b3, W4, b4):
    N, D = x.shape
    E = edge_index.shape[1]
    G = u.shape[0]
    de = edge_attr.shape[1]

    try:
        info = plsc.get_sparse_core_info()
        NC, NS = info.num_cores, info.num_subcores
    except Exception:
        NC, NS = 2, 16
    NW = NC * NS

    BN = 1024
    Np = ((N + BN - 1) // BN) * BN
    unit = NW * _CB * _KG * _KS
    Ep = ((E + unit - 1) // unit) * unit
    BE = 8192

    row = jnp.asarray(edge_index[0], jnp.int32)
    col = jnp.asarray(edge_index[1], jnp.int32)
    pad_e = Ep - E
    pad_idx = N + (jnp.arange(pad_e, dtype=jnp.int32) % jnp.int32(max(Np - N, 1)))
    rowp = jnp.concatenate([row, pad_idx])
    colp = jnp.concatenate([col, pad_idx])
    eap = jnp.pad(edge_attr, ((0, pad_e), (0, 0)))
    xpad = jnp.pad(x, ((0, Np - N), (0, 0)))
    batchp = jnp.pad(batch.astype(jnp.int32), (0, Np - N)).reshape(Np, 1)

    b1r = b1.reshape(1, D)
    b2r = b2.reshape(1, D)
    b3r = b3.reshape(1, D)
    b4r = b4.reshape(1, D)

    def prep_fn(x_ref, W1_ref, b1_ref, W2_ref, W3_ref, b2_ref, u_ref, b3_ref,
                A_ref, W23_ref, bb_ref, uc_ref):
        W1a = W1_ref[:D, :]
        A_ref[...] = jnp.dot(x_ref[...], W1a, preferred_element_type=jnp.float32) + b1_ref[...]
        W3b = W3_ref[D:2 * D, :]
        W23_ref[...] = jnp.dot(W2_ref[...], W3b, preferred_element_type=jnp.float32)
        bb_ref[...] = jnp.dot(b2_ref[...], W3b, preferred_element_type=jnp.float32)
        uc_ref[...] = jnp.dot(u_ref[...], W3_ref[2 * D:, :], preferred_element_type=jnp.float32) + b3_ref[...]

    BP = 2048
    A, W23, bb, uc = pl.pallas_call(
        prep_fn,
        grid=(Np // BP,),
        in_specs=[
            pl.BlockSpec((BP, D), lambda i: (i, 0)),
            pl.BlockSpec((D + de, D), lambda i: (0, 0)),
            pl.BlockSpec((1, D), lambda i: (0, 0)),
            pl.BlockSpec((D, D), lambda i: (0, 0)),
            pl.BlockSpec((2 * D + u.shape[1], D), lambda i: (0, 0)),
            pl.BlockSpec((1, D), lambda i: (0, 0)),
            pl.BlockSpec((G, u.shape[1]), lambda i: (0, 0)),
            pl.BlockSpec((1, D), lambda i: (0, 0)),
        ],
        out_specs=(
            pl.BlockSpec((BP, D), lambda i: (i, 0)),
            pl.BlockSpec((D, D), lambda i: (0, 0)),
            pl.BlockSpec((1, D), lambda i: (0, 0)),
            pl.BlockSpec((G, D), lambda i: (0, 0)),
        ),
        out_shape=(
            jax.ShapeDtypeStruct((Np, D), jnp.float32),
            jax.ShapeDtypeStruct((D, D), jnp.float32),
            jax.ShapeDtypeStruct((1, D), jnp.float32),
            jax.ShapeDtypeStruct((G, D), jnp.float32),
        ),
    )(xpad, W1, b1r, W2, W3, b2r, u, b3r)

    epw = Ep // NW
    nch = epw // _CB
    row3 = rowp.reshape(NW, nch, _CB)
    Gm = _sc_gather(Np, Ep, D, NC, NS, epw)(A, row3)

    def edge_fn(G_ref, ea_ref, W1_ref, R_ref):
        W1b = W1_ref[D:, :]
        R_ref[...] = jnp.maximum(
            G_ref[...] + jnp.dot(ea_ref[...], W1b, preferred_element_type=jnp.float32), 0.0)

    R = pl.pallas_call(
        edge_fn,
        grid=(Ep // BE,),
        in_specs=[
            pl.BlockSpec((BE, D), lambda i: (i, 0)),
            pl.BlockSpec((BE, de), lambda i: (i, 0)),
            pl.BlockSpec((D + de, D), lambda i: (0, 0)),
        ],
        out_specs=pl.BlockSpec((BE, D), lambda i: (i, 0)),
        out_shape=jax.ShapeDtypeStruct((Ep, D), jnp.float32),
    )(Gm, eap, W1)

    z2 = jnp.zeros((Np, D), jnp.float32)
    z1 = jnp.zeros((Np,), jnp.float32)
    col3 = colp.reshape(NW, nch, _CB)
    S2, C2 = _sc_scatter(Np, Ep, D, NC, NS, epw)(R, col3, z2, z1)
    S = S2.reshape(NC, Np, D)
    C = C2.reshape(NC, Np, 1)

    def node_fn(x_ref, S_ref, C_ref, b_ref, W3_ref, W23_ref,
                bb_ref, uc_ref, W4_ref, b4_ref, o_ref):
        S01 = S_ref[0] + S_ref[1]
        cnt = C_ref[0] + C_ref[1]
        inv = 1.0 / jnp.maximum(cnt, 1.0)
        m0 = jnp.minimum(cnt, 1.0)
        oneh = (b_ref[...] == lax.broadcasted_iota(jnp.int32, (BN, G), 1)).astype(jnp.float32)
        h = (jnp.dot(x_ref[...], W3_ref[:D, :], preferred_element_type=jnp.float32)
             + jnp.dot(S01 * inv, W23_ref[...], preferred_element_type=jnp.float32)
             + m0 * bb_ref[...]
             + jnp.dot(oneh, uc_ref[...], preferred_element_type=jnp.float32))
        o_ref[...] = jnp.dot(jnp.maximum(h, 0.0), W4_ref[...], preferred_element_type=jnp.float32) + b4_ref[...]

    out = pl.pallas_call(
        node_fn,
        grid=(Np // BN,),
        in_specs=[
            pl.BlockSpec((BN, D), lambda i: (i, 0)),
            pl.BlockSpec((NC, BN, D), lambda i: (0, i, 0)),
            pl.BlockSpec((NC, BN, 1), lambda i: (0, i, 0)),
            pl.BlockSpec((BN, 1), lambda i: (i, 0)),
            pl.BlockSpec((2 * D + u.shape[1], D), lambda i: (0, 0)),
            pl.BlockSpec((D, D), lambda i: (0, 0)),
            pl.BlockSpec((1, D), lambda i: (0, 0)),
            pl.BlockSpec((G, D), lambda i: (0, 0)),
            pl.BlockSpec((D, D), lambda i: (0, 0)),
            pl.BlockSpec((1, D), lambda i: (0, 0)),
        ],
        out_specs=pl.BlockSpec((BN, D), lambda i: (i, 0)),
        out_shape=jax.ShapeDtypeStruct((Np, D), jnp.float32),
    )(xpad, S, C, batchp, W3, W23, bb, uc, W4, b4r)

    return out[:N]

# --- scband reference (transcript-rebuilt; emitter-appended) ---
"""Pipeline reference for scband-node-model-24773371363898 (READ-ONLY COPY).

The authoritative reference and input builder live on the scoring server;
editing this copy changes nothing except your own understanding.
"""

import jax, jax.numpy as jnp
import numpy as np


def setup_inputs(seed: int = 0) -> dict:
    key = jax.random.key(seed)
    ks = jax.random.split(key, 16)
    N, E, d_node, d_edge, d_glob, d_out, G = 10000, 320000, 128, 16, 64, 128, 8
    x = jax.random.normal(ks[0], (N, d_node), dtype=jnp.float32)
    edge_index = jax.random.randint(ks[1], (2, E), 0, N)
    edge_attr = jax.random.normal(ks[2], (E, d_edge), dtype=jnp.float32)
    u = jax.random.normal(ks[3], (G, d_glob), dtype=jnp.float32)
    batch = jnp.sort(jax.random.randint(ks[4], (N,), 0, G))
    f1 = d_node + d_edge
    f2 = d_glob + d_node + d_out
    W1 = jax.random.normal(ks[5], (f1, d_out), dtype=jnp.float32) / np.sqrt(f1)
    b1 = jnp.zeros((d_out,), dtype=jnp.float32)
    W2 = jax.random.normal(ks[6], (d_out, d_out), dtype=jnp.float32) / np.sqrt(d_out)
    b2 = jnp.zeros((d_out,), dtype=jnp.float32)
    W3 = jax.random.normal(ks[7], (f2, d_out), dtype=jnp.float32) / np.sqrt(f2)
    b3 = jnp.zeros((d_out,), dtype=jnp.float32)
    W4 = jax.random.normal(ks[8], (d_out, d_out), dtype=jnp.float32) / np.sqrt(d_out)
    b4 = jnp.zeros((d_out,), dtype=jnp.float32)
    return {"x": x, "edge_index": edge_index, "edge_attr": edge_attr, "u": u, "batch": batch,
            "W1": W1, "b1": b1, "W2": W2, "b2": b2, "W3": W3, "b3": b3, "W4": W4, "b4": b4}


def reference(x, edge_index, edge_attr, u, batch, W1, b1, W2, b2, W3, b3, W4, b4):
    row = edge_index[0]
    col = edge_index[1]
    N = x.shape[0]
    # node_mlp_1 over edges: cat([x[row], edge_attr]) -> Linear -> ReLU -> Linear
    out = jnp.concatenate([jnp.take(x, row, axis=0), edge_attr], axis=1)
    out = jnp.maximum(out @ W1 + b1, 0.0) @ W2 + b2
    # scatter_mean over destination nodes (col), dim_size=N
    sums = jax.ops.segment_sum(out, col, num_segments=N)
    cnt = jax.ops.segment_sum(jnp.ones((out.shape[0],), dtype=out.dtype), col, num_segments=N)
    mean = sums / jnp.maximum(cnt, 1.0)[:, None]
    # node_mlp_2: cat([x, mean, u[batch]]) -> Linear -> ReLU -> Linear
    h = jnp.concatenate([x, mean, jnp.take(u, batch, axis=0)], axis=1)
    return jnp.maximum(h @ W3 + b3, 0.0) @ W4 + b4

if __name__ == "__main__":
    import jax
    _d = setup_inputs()
    print(jax.jit(kernel)(*tuple(_d.values())))

</pallas_src>

<mosaic_0001>
#map = affine_map<(d0, d1) -> (0, 0)>
#map1 = affine_map<(d0, d1) -> (0, 0, 0)>
#map2 = affine_map<(d0, d1) -> (0)>
module attributes {stable_mosaic.version = 14 : i64} {
  func.func @sk(%arg0: i32, %arg1: i32, %arg2: memref<327680x128xf32, #tpu.memory_space<hbm>>, %arg3: memref<32x80x128xi32, #tpu.memory_space<hbm>>, %arg4: memref<10240x128xf32, #tpu.memory_space<hbm>>, %arg5: memref<10240xf32, #tpu.memory_space<hbm>>, %arg6: memref<20480x128xf32, #tpu.memory_space<hbm>>, %arg7: memref<20480xf32, #tpu.memory_space<hbm>>, %arg8: memref<80x128xi32, #tpu.memory_space<vmem>>, %arg9: memref<2x128x128xf32, #tpu.memory_space<vmem>>, %arg10: memref<128xf32, #tpu.memory_space<vmem>>, %arg11: memref<10240x128xf32, #tpu.memory_space<vmem_shared>>, %arg12: memref<10240xf32, #tpu.memory_space<vmem_shared>>, %arg13: memref<!tpu.dma_semaphore, #tpu.memory_space<semaphore_mem>>, %arg14: memref<!tpu.dma_semaphore, #tpu.memory_space<semaphore_mem>>, %arg15: memref<!tpu.dma_semaphore, #tpu.memory_space<semaphore_mem>>, %arg16: memref<!tpu.dma_semaphore, #tpu.memory_space<semaphore_mem>>, %arg17: memref<!tpu.dma_semaphore, #tpu.memory_space<semaphore_mem>>, %arg18: memref<!tpu.dma_semaphore, #tpu.memory_space<semaphore_mem>>, %arg19: memref<!tpu.dma_semaphore, #tpu.memory_space<semaphore_mem>>) attributes {dimension_semantics = [#tpu.dimension_semantics<core_parallel>, #tpu.dimension_semantics<subcore_parallel>], iteration_bounds = array<i64: 2, 16>, scalar_prefetch = 0 : i64, scratch_operands = 12 : i64, tpu.core_type = #tpu.core_type<sc_vector_subcore>, window_params = [{transform_indices = #map}, {transform_indices = #map1}, {transform_indices = #map}, {transform_indices = #map2}, {transform_indices = #map}, {transform_indices = #map2}]} {
    %mul3A = arith.constant 2 : i32
    %mul3A_0 = arith.muli %arg1, %mul3A : i32
    %add3A = arith.addi %mul3A_0, %arg0 : i32
    %mul3A_1 = arith.constant 10240 : i32
    %mul3A_2 = arith.muli %add3A, %mul3A_1 : i32
    %mul3A_3 = arith.constant 640 : i32
    %mul3A_4 = arith.muli %arg1, %mul3A_3 : i32
    %dma_start3A = arith.constant 0 : i32
    %dma_start3A_5 = arith.constant 0 : i32
    %dma_start3A_6 = tpu.memref_slice %arg3[%add3A, %dma_start3A, %dma_start3A_5] : memref<32x80x128xi32, #tpu.memory_space<hbm>> -> memref<1x80x128xi32, #tpu.memory_space<hbm>>
    %dma_start3A_7 = tpu.memref_squeeze %dma_start3A_6 : memref<1x80x128xi32, #tpu.memory_space<hbm>> -> memref<80x128xi32, #tpu.memory_space<hbm>>
    %dma_start3A_8 = arith.constant 0 : i32
    %dma_start3A_9 = arith.constant 0 : i32
    %dma_start3A_10 = tpu.memref_slice %arg3[%add3A, %dma_start3A_8, %dma_start3A_9] : memref<32x80x128xi32, #tpu.memory_space<hbm>> -> memref<1x80x128xi32, #tpu.memory_space<hbm>>
    %dma_start3A_11 = tpu.memref_squeeze %dma_start3A_10 : memref<1x80x128xi32, #tpu.memory_space<hbm>> -> memref<80x128xi32, #tpu.memory_space<hbm>>
    tpu.enqueue_dma source(%dma_start3A_11 : memref<80x128xi32, #tpu.memory_space<hbm>>) target(%arg8 : memref<80x128xi32, #tpu.memory_space<vmem>>) target_semaphore(%arg13 : memref<!tpu.dma_semaphore, #tpu.memory_space<semaphore_mem>>)
    "tpu.region"() ({
      %run_scoped3A = tpu.sem_alloc : memref<!tpu.dma_semaphore, #tpu.memory_space<semaphore_mem>>
      %dma_start3A_77 = arith.constant 0 : i32
      %dma_start3A_78 = tpu.memref_slice %arg11[%mul3A_4, %dma_start3A_77] : memref<10240x128xf32, #tpu.memory_space<vmem_shared>> -> memref<640x128xf32, #tpu.memory_space<vmem_shared>>
      %dma_start3A_79 = arith.constant 0 : i32
      %dma_start3A_80 = tpu.memref_slice %arg4[%mul3A_4, %dma_start3A_79] : memref<10240x128xf32, #tpu.memory_space<hbm>> -> memref<640x128xf32, #tpu.memory_space<hbm>>
      tpu.enqueue_dma source(%dma_start3A_80 : memref<640x128xf32, #tpu.memory_space<hbm>>) target(%dma_start3A_78 : memref<640x128xf32, #tpu.memory_space<vmem_shared>>) target_semaphore(%run_scoped3A : memref<!tpu.dma_semaphore, #tpu.memory_space<semaphore_mem>>)
      %dma_wait3A_81 = arith.constant 0 : i32
      %dma_wait3A_82 = tpu.memref_slice %arg11[%mul3A_4, %dma_wait3A_81] : memref<10240x128xf32, #tpu.memory_space<vmem_shared>> -> memref<640x128xf32, #tpu.memory_space<vmem_shared>>
      %dma_wait3A_83 = arith.constant 0 : i32
      %dma_wait3A_84 = tpu.memref_slice %arg4[%mul3A_4, %dma_wait3A_83] : memref<10240x128xf32, #tpu.memory_space<hbm>> -> memref<640x128xf32, #tpu.memory_space<hbm>>
      tpu.wait_dma2 semaphore(%run_scoped3A : memref<!tpu.dma_semaphore, #tpu.memory_space<semaphore_mem>>) src(%dma_wait3A_84 : memref<640x128xf32, #tpu.memory_space<hbm>>) dst(%dma_wait3A_82 : memref<640x128xf32, #tpu.memory_space<vmem_shared>>)
      tpu.yield
    }) : () -> ()
    "tpu.region"() ({
      %run_scoped3A = tpu.sem_alloc : memref<!tpu.dma_semaphore, #tpu.memory_space<semaphore_mem>>
      %dma_start3A_77 = tpu.memref_slice %arg12[%mul3A_4] : memref<10240xf32, #tpu.memory_space<vmem_shared>> -> memref<640xf32, #tpu.memory_space<vmem_shared>>
      %dma_start3A_78 = tpu.memref_slice %arg5[%mul3A_4] : memref<10240xf32, #tpu.memory_space<hbm>> -> memref<640xf32, #tpu.memory_space<hbm>>
      tpu.enqueue_dma source(%dma_start3A_78 : memref<640xf32, #tpu.memory_space<hbm>>) target(%dma_start3A_77 : memref<640xf32, #tpu.memory_space<vmem_shared>>) target_semaphore(%run_scoped3A : memref<!tpu.dma_semaphore, #tpu.memory_space<semaphore_mem>>)
      %dma_wait3A_79 = tpu.memref_slice %arg12[%mul3A_4] : memref<10240xf32, #tpu.memory_space<vmem_shared>> -> memref<640xf32, #tpu.memory_space<vmem_shared>>
      %dma_wait3A_80 = tpu.memref_slice %arg5[%mul3A_4] : memref<10240xf32, #tpu.memory_space<hbm>> -> memref<640xf32, #tpu.memory_space<hbm>>
      tpu.wait_dma2 semaphore(%run_scoped3A : memref<!tpu.dma_semaphore, #tpu.memory_space<semaphore_mem>>) src(%dma_wait3A_80 : memref<640xf32, #tpu.memory_space<hbm>>) dst(%dma_wait3A_79 : memref<640xf32, #tpu.memory_space<vmem_shared>>)
      tpu.yield
    }) : () -> ()
    %broadcast_in_dim3A = arith.constant 1.000000e+00 : f32
    %broadcast_in_dim3A_12 = vector.broadcast %broadcast_in_dim3A : f32 to vector<16xf32>
    %swap3A = arith.constant 0 : index
    %swap3A_13 = tpu.vector_load %arg10[%swap3A] {strides = array<i32>} : memref<128xf32, #tpu.memory_space<vmem>>, vector<16xf32>,
    %swap3A_14 = vector.shape_cast %swap3A_13 : vector<16xf32> to vector<16xf32>
    %swap3A_15 = vector.shape_cast %broadcast_in_dim3A_12 : vector<16xf32> to vector<16xf32>
    tpu.vector_store %arg10[%swap3A], %swap3A_15 {strides = array<i32>} : memref<128xf32, #tpu.memory_space<vmem>>, vector<16xf32>,
    %broadcast_in_dim3A_16 = arith.constant 1.000000e+00 : f32
    %broadcast_in_dim3A_17 = vector.broadcast %broadcast_in_dim3A_16 : f32 to vector<16xf32>
    %swap3A_18 = arith.constant 16 : index
    %swap3A_19 = tpu.vector_load %arg10[%swap3A_18] {strides = array<i32>} : memref<128xf32, #tpu.memory_space<vmem>>, vector<16xf32>,
    %swap3A_20 = vector.shape_cast %swap3A_19 : vector<16xf32> to vector<16xf32>
    %swap3A_21 = vector.shape_cast %broadcast_in_dim3A_17 : vector<16xf32> to vector<16xf32>
    tpu.vector_store %arg10[%swap3A_18], %swap3A_21 {strides = array<i32>} : memref<128xf32, #tpu.memory_space<vmem>>, vector<16xf32>,
    %broadcast_in_dim3A_22 = arith.constant 1.000000e+00 : f32
    %broadcast_in_dim3A_23 = vector.broadcast %broadcast_in_dim3A_22 : f32 to vector<16xf32>
    %swap3A_24 = arith.constant 32 : index
    %swap3A_25 = tpu.vector_load %arg10[%swap3A_24] {strides = array<i32>} : memref<128xf32, #tpu.memory_space<vmem>>, vector<16xf32>,
    %swap3A_26 = vector.shape_cast %swap3A_25 : vector<16xf32> to vector<16xf32>
    %swap3A_27 = vector.shape_cast %broadcast_in_dim3A_23 : vector<16xf32> to vector<16xf32>
    tpu.vector_store %arg10[%swap3A_24], %swap3A_27 {strides = array<i32>} : memref<128xf32, #tpu.memory_space<vmem>>, vector<16xf32>,
    %broadcast_in_dim3A_28 = arith.constant 1.000000e+00 : f32
    %broadcast_in_dim3A_29 = vector.broadcast %broadcast_in_dim3A_28 : f32 to vector<16xf32>
    %swap3A_30 = arith.constant 48 : index
    %swap3A_31 = tpu.vector_load %arg10[%swap3A_30] {strides = array<i32>} : memref<128xf32, #tpu.memory_space<vmem>>, vector<16xf32>,
    %swap3A_32 = vector.shape_cast %swap3A_31 : vector<16xf32> to vector<16xf32>
    %swap3A_33 = vector.shape_cast %broadcast_in_dim3A_29 : vector<16xf32> to vector<16xf32>
    tpu.vector_store %arg10[%swap3A_30], %swap3A_33 {strides = array<i32>} : memref<128xf32, #tpu.memory_space<vmem>>, vector<16xf32>,
    %broadcast_in_dim3A_34 = arith.constant 1.000000e+00 : f32
    %broadcast_in_dim3A_35 = vector.broadcast %broadcast_in_dim3A_34 : f32 to vector<16xf32>
    %swap3A_36 = arith.constant 64 : index
    %swap3A_37 = tpu.vector_load %arg10[%swap3A_36] {strides = array<i32>} : memref<128xf32, #tpu.memory_space<vmem>>, vector<16xf32>,
    %swap3A_38 = vector.shape_cast %swap3A_37 : vector<16xf32> to vector<16xf32>
    %swap3A_39 = vector.shape_cast %broadcast_in_dim3A_35 : vector<16xf32> to vector<16xf32>
    tpu.vector_store %arg10[%swap3A_36], %swap3A_39 {strides = array<i32>} : memref<128xf32, #tpu.memory_space<vmem>>, vector<16xf32>,
    %broadcast_in_dim3A_40 = arith.constant 1.000000e+00 : f32
    %broadcast_in_dim3A_41 = vector.broadcast %broadcast_in_dim3A_40 : f32 to vector<16xf32>
    %swap3A_42 = arith.constant 80 : index
    %swap3A_43 = tpu.vector_load %arg10[%swap3A_42] {strides = array<i32>} : memref<128xf32, #tpu.memory_space<vmem>>, vector<16xf32>,
    %swap3A_44 = vector.shape_cast %swap3A_43 : vector<16xf32> to vector<16xf32>
    %swap3A_45 = vector.shape_cast %broadcast_in_dim3A_41 : vector<16xf32> to vector<16xf32>
    tpu.vector_store %arg10[%swap3A_42], %swap3A_45 {strides = array<i32>} : memref<128xf32, #tpu.memory_space<vmem>>, vector<16xf32>,
    %broadcast_in_dim3A_46 = arith.constant 1.000000e+00 : f32
    %broadcast_in_dim3A_47 = vector.broadcast %broadcast_in_dim3A_46 : f32 to vector<16xf32>
    %swap3A_48 = arith.constant 96 : index
    %swap3A_49 = tpu.vector_load %arg10[%swap3A_48] {strides = array<i32>} : memref<128xf32, #tpu.memory_space<vmem>>, vector<16xf32>,
    %swap3A_50 = vector.shape_cast %swap3A_49 : vector<16xf32> to vector<16xf32>
    %swap3A_51 = vector.shape_cast %broadcast_in_dim3A_47 : vector<16xf32> to vector<16xf32>
    tpu.vector_store %arg10[%swap3A_48], %swap3A_51 {strides = array<i32>} : memref<128xf32, #tpu.memory_space<vmem>>, vector<16xf32>,
    %broadcast_in_dim3A_52 = arith.constant 1.000000e+00 : f32
    %broadcast_in_dim3A_53 = vector.broadcast %broadcast_in_dim3A_52 : f32 to vector<16xf32>
    %swap3A_54 = arith.constant 112 : index
    %swap3A_55 = tpu.vector_load %arg10[%swap3A_54] {strides = array<i32>} : memref<128xf32, #tpu.memory_space<vmem>>, vector<16xf32>,
    %swap3A_56 = vector.shape_cast %swap3A_55 : vector<16xf32> to vector<16xf32>
    %swap3A_57 = vector.shape_cast %broadcast_in_dim3A_53 : vector<16xf32> to vector<16xf32>
    tpu.vector_store %arg10[%swap3A_54], %swap3A_57 {strides = array<i32>} : memref<128xf32, #tpu.memory_space<vmem>>, vector<16xf32>,
    %dma_wait3A = arith.constant 0 : i32
    %dma_wait3A_58 = arith.constant 0 : i32
    %dma_wait3A_59 = tpu.memref_slice %arg3[%add3A, %dma_wait3A, %dma_wait3A_58] : memref<32x80x128xi32, #tpu.memory_space<hbm>> -> memref<1x80x128xi32, #tpu.memory_space<hbm>>
    %dma_wait3A_60 = tpu.memref_squeeze %dma_wait3A_59 : memref<1x80x128xi32, #tpu.memory_space<hbm>> -> memref<80x128xi32, #tpu.memory_space<hbm>>
    %dma_wait3A_61 = arith.constant 0 : i32
    %dma_wait3A_62 = arith.constant 0 : i32
    %dma_wait3A_63 = tpu.memref_slice %arg3[%add3A, %dma_wait3A_61, %dma_wait3A_62] : memref<32x80x128xi32, #tpu.memory_space<hbm>> -> memref<1x80x128xi32, #tpu.memory_space<hbm>>
    %dma_wait3A_64 = tpu.memref_squeeze %dma_wait3A_63 : memref<1x80x128xi32, #tpu.memory_space<hbm>> -> memref<80x128xi32, #tpu.memory_space<hbm>>
    tpu.wait_dma2 semaphore(%arg13 : memref<!tpu.dma_semaphore, #tpu.memory_space<semaphore_mem>>) src(%dma_wait3A_64 : memref<80x128xi32, #tpu.memory_space<hbm>>) dst(%arg8 : memref<80x128xi32, #tpu.memory_space<vmem>>)
    %barrier3A = arith.constant 0 : index
    tpu.barrier barrier_id(%barrier3A)
    %scan3A = arith.constant 0 : i32
    %scan3A_65 = arith.constant 0 : i32
    %scan3A_66 = arith.constant 40 : i32
    %scan3A_67 = arith.addi %scan3A_65, %scan3A_66 : i32
    %scan3A_68 = arith.constant 1 : i32
    scf.for %scan3A_77 = %scan3A_65 to %scan3A_67 step %scan3A_68  : i32 {
      %mul3A_78 = arith.constant 2 : i32
      %mul3A_79 = arith.muli %scan3A_77, %mul3A_78 : i32
      %add3A_80 = arith.constant 0 : i32
      %add3A_81 = arith.addi %mul3A_79, %add3A_80 : i32
      %mul3A_82 = arith.constant 128 : i32
      %mul3A_83 = arith.muli %add3A_81, %mul3A_82 : i32
      %add3A_84 = arith.addi %mul3A_2, %mul3A_83 : i32
      %dma_start3A_85 = arith.constant 0 : i32
      %dma_start3A_86 = arith.constant 0 : i32
      %dma_start3A_87 = arith.constant 0 : i32
      %dma_start3A_88 = tpu.memref_slice %arg9[%dma_start3A_85, %dma_start3A_86, %dma_start3A_87] : memref<2x128x128xf32, #tpu.memory_space<vmem>> -> memref<1x128x128xf32, #tpu.memory_space<vmem>>
      %dma_start3A_89 = tpu.memref_squeeze %dma_start3A_88 : memref<1x128x128xf32, #tpu.memory_space<vmem>> -> memref<128x128xf32, #tpu.memory_space<vmem>>
      %dma_start3A_90 = arith.constant 0 : i32
      %dma_start3A_91 = tpu.memref_slice %arg2[%add3A_84, %dma_start3A_90] : memref<327680x128xf32, #tpu.memory_space<hbm>> -> memref<128x128xf32, #tpu.memory_space<hbm>>
      %dma_start3A_92 = arith.constant 0 : i32
      %dma_start3A_93 = arith.constant 0 : i32
      %dma_start3A_94 = tpu.memref_slice %arg9[%dma_start3A_85, %dma_start3A_92, %dma_start3A_93] : memref<2x128x128xf32, #tpu.memory_space<vmem>> -> memref<1x128x128xf32, #tpu.memory_space<vmem>>
      %dma_start3A_95 = tpu.memref_squeeze %dma_start3A_94 : memref<1x128x128xf32, #tpu.memory_space<vmem>> -> memref<128x128xf32, #tpu.memory_space<vmem>>
      %dma_start3A_96 = arith.constant 0 : i32
      %dma_start3A_97 = tpu.memref_slice %arg2[%add3A_84, %dma_start3A_96] : memref<327680x128xf32, #tpu.memory_space<hbm>> -> memref<128x128xf32, #tpu.memory_space<hbm>>
      tpu.enqueue_dma source(%dma_start3A_97 : memref<128x128xf32, #tpu.memory_space<hbm>>) target(%dma_start3A_95 : memref<128x128xf32, #tpu.memory_space<vmem>>) target_semaphore(%arg14 : memref<!tpu.dma_semaphore, #tpu.memory_space<semaphore_mem>>)
      %add3A_98 = arith.constant 1 : i32
      %add3A_99 = arith.addi %mul3A_79, %add3A_98 : i32
      %mul3A_100 = arith.constant 128 : i32
      %mul3A_101 = arith.muli %add3A_99, %mul3A_100 : i32
      %add3A_102 = arith.addi %mul3A_2, %mul3A_101 : i32
      %dma_start3A_103 = arith.constant 1 : i32
      %dma_start3A_104 = arith.constant 0 : i32
      %dma_start3A_105 = arith.constant 0 : i32
      %dma_start3A_106 = tpu.memref_slice %arg9[%dma_start3A_103, %dma_start3A_104, %dma_start3A_105] : memref<2x128x128xf32, #tpu.memory_space<vmem>> -> memref<1x128x128xf32, #tpu.memory_space<vmem>>
      %dma_start3A_107 = tpu.memref_squeeze %dma_start3A_106 : memref<1x128x128xf32, #tpu.memory_space<vmem>> -> memref<128x128xf32, #tpu.memory_space<vmem>>
      %dma_start3A_108 = arith.constant 0 : i32
      %dma_start3A_109 = tpu.memref_slice %arg2[%add3A_102, %dma_start3A_108] : memref<327680x128xf32, #tpu.memory_space<hbm>> -> memref<128x128xf32, #tpu.memory_space<hbm>>
      %dma_start3A_110 = arith.constant 0 : i32
      %dma_start3A_111 = arith.constant 0 : i32
      %dma_start3A_112 = tpu.memref_slice %arg9[%dma_start3A_103, %dma_start3A_110, %dma_start3A_111] : memref<2x128x128xf32, #tpu.memory_space<vmem>> -> memref<1x128x128xf32, #tpu.memory_space<vmem>>
      %dma_start3A_113 = tpu.memref_squeeze %dma_start3A_112 : memref<1x128x128xf32, #tpu.memory_space<vmem>> -> memref<128x128xf32, #tpu.memory_space<vmem>>
      %dma_start3A_114 = arith.constant 0 : i32
      %dma_start3A_115 = tpu.memref_slice %arg2[%add3A_102, %dma_start3A_114] : memref<327680x128xf32, #tpu.memory_space<hbm>> -> memref<128x128xf32, #tpu.memory_space<hbm>>
      tpu.enqueue_dma source(%dma_start3A_115 : memref<128x128xf32, #tpu.memory_space<hbm>>) target(%dma_start3A_113 : memref<128x128xf32, #tpu.memory_space<vmem>>) target_semaphore(%arg15 : memref<!tpu.dma_semaphore, #tpu.memory_space<semaphore_mem>>)
      %dma_wait3A_116 = arith.constant 0 : i32
      %dma_wait3A_117 = arith.constant 0 : i32
      %dma_wait3A_118 = arith.constant 0 : i32
      %dma_wait3A_119 = tpu.memref_slice %arg9[%dma_wait3A_116, %dma_wait3A_117, %dma_wait3A_118] : memref<2x128x128xf32, #tpu.memory_space<vmem>> -> memref<1x128x128xf32, #tpu.memory_space<vmem>>
      %dma_wait3A_120 = tpu.memref_squeeze %dma_wait3A_119 : memref<1x128x128xf32, #tpu.memory_space<vmem>> -> memref<128x128xf32, #tpu.memory_space<vmem>>
      %dma_wait3A_121 = arith.constant 0 : i32
      %dma_wait3A_122 = tpu.memref_slice %arg2[%add3A_84, %dma_wait3A_121] : memref<327680x128xf32, #tpu.memory_space<hbm>> -> memref<128x128xf32, #tpu.memory_space<hbm>>
      %dma_wait3A_123 = arith.constant 0 : i32
      %dma_wait3A_124 = arith.constant 0 : i32
      %dma_wait3A_125 = tpu.memref_slice %arg9[%dma_wait3A_116, %dma_wait3A_123, %dma_wait3A_124] : memref<2x128x128xf32, #tpu.memory_space<vmem>> -> memref<1x128x128xf32, #tpu.memory_space<vmem>>
      %dma_wait3A_126 = tpu.memref_squeeze %dma_wait3A_125 : memref<1x128x128xf32, #tpu.memory_space<vmem>> -> memref<128x128xf32, #tpu.memory_space<vmem>>
      %dma_wait3A_127 = arith.constant 0 : i32
      %dma_wait3A_128 = tpu.memref_slice %arg2[%add3A_84, %dma_wait3A_127] : memref<327680x128xf32, #tpu.memory_space<hbm>> -> memref<128x128xf32, #tpu.memory_space<hbm>>
      tpu.wait_dma2 semaphore(%arg14 : memref<!tpu.dma_semaphore, #tpu.memory_space<semaphore_mem>>) src(%dma_wait3A_128 : memref<128x128xf32, #tpu.memory_space<hbm>>) dst(%dma_wait3A_126 : memref<128x128xf32, #tpu.memory_space<vmem>>)
      %add3A_129 = arith.constant 0 : i32
      %add3A_130 = arith.addi %mul3A_79, %add3A_129 : i32
      %dma_start3A_131 = arith.constant 0 : i32
      %dma_start3A_132 = arith.constant 0 : i32
      %dma_start3A_133 = arith.constant 0 : i32
      %dma_start3A_134 = tpu.memref_slice %arg9[%dma_start3A_131, %dma_start3A_132, %dma_start3A_133] : memref<2x128x128xf32, #tpu.memory_space<vmem>> -> memref<1x128x128xf32, #tpu.memory_space<vmem>>
      %dma_start3A_135 = tpu.memref_squeeze %dma_start3A_134 : memref<1x128x128xf32, #tpu.memory_space<vmem>> -> memref<128x128xf32, #tpu.memory_space<vmem>>
      %dma_start3A_136 = arith.constant 0 : i32
      %dma_start3A_137 = tpu.memref_slice %arg8[%add3A_130, %dma_start3A_136] : memref<80x128xi32, #tpu.memory_space<vmem>> -> memref<1x128xi32, #tpu.memory_space<vmem>>
      %dma_start3A_138 = tpu.memref_squeeze %dma_start3A_137 : memref<1x128xi32, #tpu.memory_space<vmem>> -> memref<128xi32, #tpu.memory_space<vmem>>
      %dma_start3A_139 = arith.constant 0 : i32
      %dma_start3A_140 = arith.constant 0 : i32
      %dma_start3A_141 = tpu.memref_slice %arg11[%dma_start3A_139, %dma_start3A_140] : memref<10240x128xf32, #tpu.memory_space<vmem_shared>> -> memref<10240x128xf32, #tpu.memory_space<vmem_shared>>
      tpu.enqueue_indirect_dma source(%dma_start3A_135 : memref<128x128xf32, #tpu.memory_space<vmem>>) target(%dma_start3A_141 : memref<10240x128xf32, #tpu.memory_space<vmem_shared>>) offsets(%dma_start3A_138 : memref<128xi32, #tpu.memory_space<vmem>>) semaphore(%arg16 : memref<!tpu.dma_semaphore, #tpu.memory_space<semaphore_mem>>) {add = true}
      %add3A_142 = arith.constant 0 : i32
      %add3A_143 = arith.addi %mul3A_79, %add3A_142 : i32
      %dma_start3A_144 = arith.constant 0 : i32
      %dma_start3A_145 = tpu.memref_slice %arg8[%add3A_143, %dma_start3A_144] : memref<80x128xi32, #tpu.memory_space<vmem>> -> memref<1x128xi32, #tpu.memory_space<vmem>>
      %dma_start3A_146 = tpu.memref_squeeze %dma_start3A_145 : memref<1x128xi32, #tpu.memory_space<vmem>> -> memref<128xi32, #tpu.memory_space<vmem>>
      %dma_start3A_147 = arith.constant 0 : i32
      %dma_start3A_148 = tpu.memref_slice %arg12[%dma_start3A_147] : memref<10240xf32, #tpu.memory_space<vmem_shared>> -> memref<10240xf32, #tpu.memory_space<vmem_shared>>
      tpu.enqueue_indirect_dma source(%arg10 : memref<128xf32, #tpu.memory_space<vmem>>) target(%dma_start3A_148 : memref<10240xf32, #tpu.memory_space<vmem_shared>>) offsets(%dma_start3A_146 : memref<128xi32, #tpu.memory_space<vmem>>) semaphore(%arg18 : memref<!tpu.dma_semaphore, #tpu.memory_space<semaphore_mem>>) {add = true}
      %dma_wait3A_149 = arith.constant 1 : i32
      %dma_wait3A_150 = arith.constant 0 : i32
      %dma_wait3A_151 = arith.constant 0 : i32
      %dma_wait3A_152 = tpu.memref_slice %arg9[%dma_wait3A_149, %dma_wait3A_150, %dma_wait3A_151] : memref<2x128x128xf32, #tpu.memory_space<vmem>> -> memref<1x128x128xf32, #tpu.memory_space<vmem>>
      %dma_wait3A_153 = tpu.memref_squeeze %dma_wait3A_152 : memref<1x128x128xf32, #tpu.memory_space<vmem>> -> memref<128x128xf32, #tpu.memory_space<vmem>>
      %dma_wait3A_154 = arith.constant 0 : i32
      %dma_wait3A_155 = tpu.memref_slice %arg2[%add3A_102, %dma_wait3A_154] : memref<327680x128xf32, #tpu.memory_space<hbm>> -> memref<128x128xf32, #tpu.memory_space<hbm>>
      %dma_wait3A_156 = arith.constant 0 : i32
      %dma_wait3A_157 = arith.constant 0 : i32
      %dma_wait3A_158 = tpu.memref_slice %arg9[%dma_wait3A_149, %dma_wait3A_156, %dma_wait3A_157] : memref<2x128x128xf32, #tpu.memory_space<vmem>> -> memref<1x128x128xf32, #tpu.memory_space<vmem>>
      %dma_wait3A_159 = tpu.memref_squeeze %dma_wait3A_158 : memref<1x128x128xf32, #tpu.memory_space<vmem>> -> memref<128x128xf32, #tpu.memory_space<vmem>>
      %dma_wait3A_160 = arith.constant 0 : i32
      %dma_wait3A_161 = tpu.memref_slice %arg2[%add3A_102, %dma_wait3A_160] : memref<327680x128xf32, #tpu.memory_space<hbm>> -> memref<128x128xf32, #tpu.memory_space<hbm>>
      tpu.wait_dma2 semaphore(%arg15 : memref<!tpu.dma_semaphore, #tpu.memory_space<semaphore_mem>>) src(%dma_wait3A_161 : memref<128x128xf32, #tpu.memory_space<hbm>>) dst(%dma_wait3A_159 : memref<128x128xf32, #tpu.memory_space<vmem>>)
      %add3A_162 = arith.constant 1 : i32
      %add3A_163 = arith.addi %mul3A_79, %add3A_162 : i32
      %dma_start3A_164 = arith.constant 1 : i32
      %dma_start3A_165 = arith.constant 0 : i32
      %dma_start3A_166 = arith.constant 0 : i32
      %dma_start3A_167 = tpu.memref_slice %arg9[%dma_start3A_164, %dma_start3A_165, %dma_start3A_166] : memref<2x128x128xf32, #tpu.memory_space<vmem>> -> memref<1x128x128xf32, #tpu.memory_space<vmem>>
      %dma_start3A_168 = tpu.memref_squeeze %dma_start3A_167 : memref<1x128x128xf32, #tpu.memory_space<vmem>> -> memref<128x128xf32, #tpu.memory_space<vmem>>
      %dma_start3A_169 = arith.constant 0 : i32
      %dma_start3A_170 = tpu.memref_slice %arg8[%add3A_163, %dma_start3A_169] : memref<80x128xi32, #tpu.memory_space<vmem>> -> memref<1x128xi32, #tpu.memory_space<vmem>>
      %dma_start3A_171 = tpu.memref_squeeze %dma_start3A_170 : memref<1x128xi32, #tpu.memory_space<vmem>> -> memref<128xi32, #tpu.memory_space<vmem>>
      %dma_start3A_172 = arith.constant 0 : i32
      %dma_start3A_173 = arith.constant 0 : i32
      %dma_start3A_174 = tpu.memref_slice %arg11[%dma_start3A_172, %dma_start3A_173] : memref<10240x128xf32, #tpu.memory_space<vmem_shared>> -> memref<10240x128xf32, #tpu.memory_space<vmem_shared>>
      tpu.enqueue_indirect_dma source(%dma_start3A_168 : memref<128x128xf32, #tpu.memory_space<vmem>>) target(%dma_start3A_174 : memref<10240x128xf32, #tpu.memory_space<vmem_shared>>) offsets(%dma_start3A_171 : memref<128xi32, #tpu.memory_space<vmem>>) semaphore(%arg17 : memref<!tpu.dma_semaphore, #tpu.memory_space<semaphore_mem>>) {add = true}
      %add3A_175 = arith.constant 1 : i32
      %add3A_176 = arith.addi %mul3A_79, %add3A_175 : i32
      %dma_start3A_177 = arith.constant 0 : i32
      %dma_start3A_178 = tpu.memref_slice %arg8[%add3A_176, %dma_start3A_177] : memref<80x128xi32, #tpu.memory_space<vmem>> -> memref<1x128xi32, #tpu.memory_space<vmem>>
      %dma_start3A_179 = tpu.memref_squeeze %dma_start3A_178 : memref<1x128xi32, #tpu.memory_space<vmem>> -> memref<128xi32, #tpu.memory_space<vmem>>
      %dma_start3A_180 = arith.constant 0 : i32
      %dma_start3A_181 = tpu.memref_slice %arg12[%dma_start3A_180] : memref<10240xf32, #tpu.memory_space<vmem_shared>> -> memref<10240xf32, #tpu.memory_space<vmem_shared>>
      tpu.enqueue_indirect_dma source(%arg10 : memref<128xf32, #tpu.memory_space<vmem>>) target(%dma_start3A_181 : memref<10240xf32, #tpu.memory_space<vmem_shared>>) offsets(%dma_start3A_179 : memref<128xi32, #tpu.memory_space<vmem>>) semaphore(%arg19 : memref<!tpu.dma_semaphore, #tpu.memory_space<semaphore_mem>>) {add = true}
      %dma_wait3A_182 = arith.constant 0 : i32
      %dma_wait3A_183 = arith.constant 0 : i32
      %dma_wait3A_184 = arith.constant 0 : i32
      %dma_wait3A_185 = tpu.memref_slice %arg9[%dma_wait3A_182, %dma_wait3A_183, %dma_wait3A_184] : memref<2x128x128xf32, #tpu.memory_space<vmem>> -> memref<1x128x128xf32, #tpu.memory_space<vmem>>
      %dma_wait3A_186 = tpu.memref_squeeze %dma_wait3A_185 : memref<1x128x128xf32, #tpu.memory_space<vmem>> -> memref<128x128xf32, #tpu.memory_space<vmem>>
      %dma_wait3A_187 = arith.constant 0 : i32
      %dma_wait3A_188 = tpu.memref_slice %arg8[%add3A_130, %dma_wait3A_187] : memref<80x128xi32, #tpu.memory_space<vmem>> -> memref<1x128xi32, #tpu.memory_space<vmem>>
      %dma_wait3A_189 = tpu.memref_squeeze %dma_wait3A_188 : memref<1x128xi32, #tpu.memory_space<vmem>> -> memref<128xi32, #tpu.memory_space<vmem>>
      %dma_wait3A_190 = arith.constant 0 : i32
      %dma_wait3A_191 = arith.constant 0 : i32
      %dma_wait3A_192 = tpu.memref_slice %arg11[%dma_wait3A_190, %dma_wait3A_191] : memref<10240x128xf32, #tpu.memory_space<vmem_shared>> -> memref<10240x128xf32, #tpu.memory_space<vmem_shared>>
      tpu.wait_indirect_dma semaphore(%arg16 : memref<!tpu.dma_semaphore, #tpu.memory_space<semaphore_mem>>) src(%dma_wait3A_186 : memref<128x128xf32, #tpu.memory_space<vmem>>) dst(%dma_wait3A_192 : memref<10240x128xf32, #tpu.memory_space<vmem_shared>>)
      %dma_wait3A_193 = arith.constant 0 : i32
      %dma_wait3A_194 = tpu.memref_slice %arg8[%add3A_143, %dma_wait3A_193] : memref<80x128xi32, #tpu.memory_space<vmem>> -> memref<1x128xi32, #tpu.memory_space<vmem>>
      %dma_wait3A_195 = tpu.memref_squeeze %dma_wait3A_194 : memref<1x128xi32, #tpu.memory_space<vmem>> -> memref<128xi32, #tpu.memory_space<vmem>>
      %dma_wait3A_196 = arith.constant 0 : i32
      %dma_wait3A_197 = tpu.memref_slice %arg12[%dma_wait3A_196] : memref<10240xf32, #tpu.memory_space<vmem_shared>> -> memref<10240xf32, #tpu.memory_space<vmem_shared>>
      tpu.wait_indirect_dma semaphore(%arg18 : memref<!tpu.dma_semaphore, #tpu.memory_space<semaphore_mem>>) src(%arg10 : memref<128xf32, #tpu.memory_space<vmem>>) dst(%dma_wait3A_197 : memref<10240xf32, #tpu.memory_space<vmem_shared>>)
      %dma_wait3A_198 = arith.constant 1 : i32
      %dma_wait3A_199 = arith.constant 0 : i32
      %dma_wait3A_200 = arith.constant 0 : i32
      %dma_wait3A_201 = tpu.memref_slice %arg9[%dma_wait3A_198, %dma_wait3A_199, %dma_wait3A_200] : memref<2x128x128xf32, #tpu.memory_space<vmem>> -> memref<1x128x128xf32, #tpu.memory_space<vmem>>
      %dma_wait3A_202 = tpu.memref_squeeze %dma_wait3A_201 : memref<1x128x128xf32, #tpu.memory_space<vmem>> -> memref<128x128xf32, #tpu.memory_space<vmem>>
      %dma_wait3A_203 = arith.constant 0 : i32
      %dma_wait3A_204 = tpu.memref_slice %arg8[%add3A_163, %dma_wait3A_203] : memref<80x128xi32, #tpu.memory_space<vmem>> -> memref<1x128xi32, #tpu.memory_space<vmem>>
      %dma_wait3A_205 = tpu.memref_squeeze %dma_wait3A_204 : memref<1x128xi32, #tpu.memory_space<vmem>> -> memref<128xi32, #tpu.memory_space<vmem>>
      %dma_wait3A_206 = arith.constant 0 : i32
      %dma_wait3A_207 = arith.constant 0 : i32
      %dma_wait3A_208 = tpu.memref_slice %arg11[%dma_wait3A_206, %dma_wait3A_207] : memref<10240x128xf32, #tpu.memory_space<vmem_shared>> -> memref<10240x128xf32, #tpu.memory_space<vmem_shared>>
      tpu.wait_indirect_dma semaphore(%arg17 : memref<!tpu.dma_semaphore, #tpu.memory_space<semaphore_mem>>) src(%dma_wait3A_202 : memref<128x128xf32, #tpu.memory_space<vmem>>) dst(%dma_wait3A_208 : memref<10240x128xf32, #tpu.memory_space<vmem_shared>>)
      %dma_wait3A_209 = arith.constant 0 : i32
      %dma_wait3A_210 = tpu.memref_slice %arg8[%add3A_176, %dma_wait3A_209] : memref<80x128xi32, #tpu.memory_space<vmem>> -> memref<1x128xi32, #tpu.memory_space<vmem>>
      %dma_wait3A_211 = tpu.memref_squeeze %dma_wait3A_210 : memref<1x128xi32, #tpu.memory_space<vmem>> -> memref<128xi32, #tpu.memory_space<vmem>>
      %dma_wait3A_212 = arith.constant 0 : i32
      %dma_wait3A_213 = tpu.memref_slice %arg12[%dma_wait3A_212] : memref<10240xf32, #tpu.memory_space<vmem_shared>> -> memref<10240xf32, #tpu.memory_space<vmem_shared>>
      tpu.wait_indirect_dma semaphore(%arg19 : memref<!tpu.dma_semaphore, #tpu.memory_space<semaphore_mem>>) src(%arg10 : memref<128xf32, #tpu.memory_space<vmem>>) dst(%dma_wait3A_213 : memref<10240xf32, #tpu.memory_space<vmem_shared>>)
    }
    %scan3A_69 = arith.constant 40 : i32
    %barrier3A_70 = arith.constant 0 : index
    tpu.barrier barrier_id(%barrier3A_70)
    %mul3A_71 = arith.constant 10240 : i32
    %mul3A_72 = arith.muli %arg0, %mul3A_71 : i32
    %add3A_73 = arith.addi %mul3A_72, %mul3A_4 : i32
    "tpu.region"() ({
      %run_scoped3A = tpu.sem_alloc : memref<!tpu.dma_semaphore, #tpu.memory_space<semaphore_mem>>
      %dma_start3A_77 = arith.constant 0 : i32
      %dma_start3A_78 = tpu.memref_slice %arg6[%add3A_73, %dma_start3A_77] : memref<20480x128xf32, #tpu.memory_space<hbm>> -> memref<640x128xf32, #tpu.memory_space<hbm>>
      %dma_start3A_79 = arith.constant 0 : i32
      %dma_start3A_80 = tpu.memref_slice %arg11[%mul3A_4, %dma_start3A_79] : memref<10240x128xf32, #tpu.memory_space<vmem_shared>> -> memref<640x128xf32, #tpu.memory_space<vmem_shared>>
      tpu.enqueue_dma source(%dma_start3A_80 : memref<640x128xf32, #tpu.memory_space<vmem_shared>>) target(%dma_start3A_78 : memref<640x128xf32, #tpu.memory_space<hbm>>) target_semaphore(%run_scoped3A : memref<!tpu.dma_semaphore, #tpu.memory_space<semaphore_mem>>)
      %dma_wait3A_81 = arith.constant 0 : i32
      %dma_wait3A_82 = tpu.memref_slice %arg6[%add3A_73, %dma_wait3A_81] : memref<20480x128xf32, #tpu.memory_space<hbm>> -> memref<640x128xf32, #tpu.memory_space<hbm>>
      %dma_wait3A_83 = arith.constant 0 : i32
      %dma_wait3A_84 = tpu.memref_slice %arg11[%mul3A_4, %dma_wait3A_83] : memref<10240x128xf32, #tpu.memory_space<vmem_shared>> -> memref<640x128xf32, #tpu.memory_space<vmem_shared>>
      tpu.wait_dma2 semaphore(%run_scoped3A : memref<!tpu.dma_semaphore, #tpu.memory_space<semaphore_mem>>) src(%dma_wait3A_84 : memref<640x128xf32, #tpu.memory_space<vmem_shared>>) dst(%dma_wait3A_82 : memref<640x128xf32, #tpu.memory_space<hbm>>)
      tpu.yield
    }) : () -> ()
    %mul3A_74 = arith.constant 10240 : i32
    %mul3A_75 = arith.muli %arg0, %mul3A_74 : i32
    %add3A_76 = arith.addi %mul3A_75, %mul3A_4 : i32
    "tpu.region"() ({
      %run_scoped3A = tpu.sem_alloc : memref<!tpu.dma_semaphore, #tpu.memory_space<semaphore_mem>>
      %dma_start3A_77 = tpu.memref_slice %arg7[%add3A_76] : memref<20480xf32, #tpu.memory_space<hbm>> -> memref<640xf32, #tpu.memory_space<hbm>>
      %dma_start3A_78 = tpu.memref_slice %arg12[%mul3A_4] : memref<10240xf32, #tpu.memory_space<vmem_shared>> -> memref<640xf32, #tpu.memory_space<vmem_shared>>
      tpu.enqueue_dma source(%dma_start3A_78 : memref<640xf32, #tpu.memory_space<vmem_shared>>) target(%dma_start3A_77 : memref<640xf32, #tpu.memory_space<hbm>>) target_semaphore(%run_scoped3A : memref<!tpu.dma_semaphore, #tpu.memory_space<semaphore_mem>>)
      %dma_wait3A_79 = tpu.memref_slice %arg7[%add3A_76] : memref<20480xf32, #tpu.memory_space<hbm>> -> memref<640xf32, #tpu.memory_space<hbm>>
      %dma_wait3A_80 = tpu.memref_slice %arg12[%mul3A_4] : memref<10240xf32, #tpu.memory_space<vmem_shared>> -> memref<640xf32, #tpu.memory_space<vmem_shared>>
      tpu.wait_dma2 semaphore(%run_scoped3A : memref<!tpu.dma_semaphore, #tpu.memory_space<semaphore_mem>>) src(%dma_wait3A_80 : memref<640xf32, #tpu.memory_space<vmem_shared>>) dst(%dma_wait3A_79 : memref<640xf32, #tpu.memory_space<hbm>>)
      tpu.yield
    }) : () -> ()
    return
  }
}

#map = affine_map<(d0, d1) -> (0, 0)>
#map1 = affine_map<(d0, d1) -> (0, 0, 0)>
module attributes {stable_mosaic.version = 14 : i64} {
  func.func @gk(%arg0: i32, %arg1: i32, %arg2: memref<10240x128xf32, #tpu.memory_space<hbm>>, %arg3: memref<32x80x128xi32, #tpu.memory_space<hbm>>, %arg4: memref<327680x128xf32, #tpu.memory_space<hbm>>, %arg5: memref<80x128xi32, #tpu.memory_space<vmem>>, %arg6: memref<5x128x128xf32, #tpu.memory_space<vmem>>, %arg7: memref<!tpu.dma_semaphore, #tpu.memory_space<semaphore_mem>>, %arg8: memref<!tpu.dma_semaphore, #tpu.memory_space<semaphore_mem>>, %arg9: memref<!tpu.dma_semaphore, #tpu.memory_space<semaphore_mem>>, %arg10: memref<!tpu.dma_semaphore, #tpu.memory_space<semaphore_mem>>, %arg11: memref<!tpu.dma_semaphore, #tpu.memory_space<semaphore_mem>>, %arg12: memref<!tpu.dma_semaphore, #tpu.memory_space<semaphore_mem>>, %arg13: memref<!tpu.dma_semaphore, #tpu.memory_space<semaphore_mem>>, %arg14: memref<!tpu.dma_semaphore, #tpu.memory_space<semaphore_mem>>, %arg15: memref<!tpu.dma_semaphore, #tpu.memory_space<semaphore_mem>>, %arg16: memref<!tpu.dma_semaphore, #tpu.memory_space<semaphore_mem>>, %arg17: memref<!tpu.dma_semaphore, #tpu.memory_space<semaphore_mem>>) attributes {dimension_semantics = [#tpu.dimension_semantics<core_parallel>, #tpu.dimension_semantics<subcore_parallel>], iteration_bounds = array<i64: 2, 16>, scalar_prefetch = 0 : i64, scratch_operands = 13 : i64, tpu.core_type = #tpu.core_type<sc_vector_subcore>, window_params = [{transform_indices = #map}, {transform_indices = #map1}, {transform_indices = #map}]} {
    %mul3A = arith.constant 2 : i32
    %mul3A_0 = arith.muli %arg1, %mul3A : i32
    %add3A = arith.addi %mul3A_0, %arg0 : i32
    %mul3A_1 = arith.constant 10240 : i32
    %mul3A_2 = arith.muli %add3A, %mul3A_1 : i32
    %dma_start3A = arith.constant 0 : i32
    %dma_start3A_3 = arith.constant 0 : i32
    %dma_start3A_4 = tpu.memref_slice %arg3[%add3A, %dma_start3A, %dma_start3A_3] : memref<32x80x128xi32, #tpu.memory_space<hbm>> -> memref<1x80x128xi32, #tpu.memory_space<hbm>>
    %dma_start3A_5 = tpu.memref_squeeze %dma_start3A_4 : memref<1x80x128xi32, #tpu.memory_space<hbm>> -> memref<80x128xi32, #tpu.memory_space<hbm>>
    %dma_start3A_6 = arith.constant 0 : i32
    %dma_start3A_7 = arith.constant 0 : i32
    %dma_start3A_8 = tpu.memref_slice %arg3[%add3A, %dma_start3A_6, %dma_start3A_7] : memref<32x80x128xi32, #tpu.memory_space<hbm>> -> memref<1x80x128xi32, #tpu.memory_space<hbm>>
    %dma_start3A_9 = tpu.memref_squeeze %dma_start3A_8 : memref<1x80x128xi32, #tpu.memory_space<hbm>> -> memref<80x128xi32, #tpu.memory_space<hbm>>
    tpu.enqueue_dma source(%dma_start3A_9 : memref<80x128xi32, #tpu.memory_space<hbm>>) target(%arg5 : memref<80x128xi32, #tpu.memory_space<vmem>>) target_semaphore(%arg7 : memref<!tpu.dma_semaphore, #tpu.memory_space<semaphore_mem>>)
    %dma_wait3A = arith.constant 0 : i32
    %dma_wait3A_10 = arith.constant 0 : i32
    %dma_wait3A_11 = tpu.memref_slice %arg3[%add3A, %dma_wait3A, %dma_wait3A_10] : memref<32x80x128xi32, #tpu.memory_space<hbm>> -> memref<1x80x128xi32, #tpu.memory_space<hbm>>
    %dma_wait3A_12 = tpu.memref_squeeze %dma_wait3A_11 : memref<1x80x128xi32, #tpu.memory_space<hbm>> -> memref<80x128xi32, #tpu.memory_space<hbm>>
    %dma_wait3A_13 = arith.constant 0 : i32
    %dma_wait3A_14 = arith.constant 0 : i32
    %dma_wait3A_15 = tpu.memref_slice %arg3[%add3A, %dma_wait3A_13, %dma_wait3A_14] : memref<32x80x128xi32, #tpu.memory_space<hbm>> -> memref<1x80x128xi32, #tpu.memory_space<hbm>>
    %dma_wait3A_16 = tpu.memref_squeeze %dma_wait3A_15 : memref<1x80x128xi32, #tpu.memory_space<hbm>> -> memref<80x128xi32, #tpu.memory_space<hbm>>
    tpu.wait_dma2 semaphore(%arg7 : memref<!tpu.dma_semaphore, #tpu.memory_space<semaphore_mem>>) src(%dma_wait3A_16 : memref<80x128xi32, #tpu.memory_space<hbm>>) dst(%arg5 : memref<80x128xi32, #tpu.memory_space<vmem>>)
    %scan3A = arith.constant 0 : i32
    %scan3A_17 = arith.constant 0 : i32
    %scan3A_18 = arith.constant 16 : i32
    %scan3A_19 = arith.addi %scan3A_17, %scan3A_18 : i32
    %scan3A_20 = arith.constant 1 : i32
    scf.for %scan3A_22 = %scan3A_17 to %scan3A_19 step %scan3A_20  : i32 {
      %mul3A_23 = arith.constant 5 : i32
      %mul3A_24 = arith.muli %scan3A_22, %mul3A_23 : i32
      %add3A_25 = arith.constant 0 : i32
      %add3A_26 = arith.addi %mul3A_24, %add3A_25 : i32
      %dma_start3A_27 = arith.constant 0 : i32
      %dma_start3A_28 = arith.constant 0 : i32
      %dma_start3A_29 = arith.constant 0 : i32
      %dma_start3A_30 = tpu.memref_slice %arg6[%dma_start3A_27, %dma_start3A_28, %dma_start3A_29] : memref<5x128x128xf32, #tpu.memory_space<vmem>> -> memref<1x128x128xf32, #tpu.memory_space<vmem>>
      %dma_start3A_31 = tpu.memref_squeeze %dma_start3A_30 : memref<1x128x128xf32, #tpu.memory_space<vmem>> -> memref<128x128xf32, #tpu.memory_space<vmem>>
      %dma_start3A_32 = arith.constant 0 : i32
      %dma_start3A_33 = tpu.memref_slice %arg5[%add3A_26, %dma_start3A_32] : memref<80x128xi32, #tpu.memory_space<vmem>> -> memref<1x128xi32, #tpu.memory_space<vmem>>
      %dma_start3A_34 = tpu.memref_squeeze %dma_start3A_33 : memref<1x128xi32, #tpu.memory_space<vmem>> -> memref<128xi32, #tpu.memory_space<vmem>>
      %dma_start3A_35 = arith.constant 0 : i32
      %dma_start3A_36 = arith.constant 0 : i32
      %dma_start3A_37 = tpu.memref_slice %arg2[%dma_start3A_35, %dma_start3A_36] : memref<10240x128xf32, #tpu.memory_space<hbm>> -> memref<10240x128xf32, #tpu.memory_space<hbm>>
      tpu.enqueue_indirect_dma source(%dma_start3A_37 : memref<10240x128xf32, #tpu.memory_space<hbm>>) target(%dma_start3A_31 : memref<128x128xf32, #tpu.memory_space<vmem>>) offsets(%dma_start3A_34 : memref<128xi32, #tpu.memory_space<vmem>>) semaphore(%arg8 : memref<!tpu.dma_semaphore, #tpu.memory_space<semaphore_mem>>)
      %add3A_38 = arith.constant 1 : i32
      %add3A_39 = arith.addi %mul3A_24, %add3A_38 : i32
      %dma_start3A_40 = arith.constant 1 : i32
      %dma_start3A_41 = arith.constant 0 : i32
      %dma_start3A_42 = arith.constant 0 : i32
      %dma_start3A_43 = tpu.memref_slice %arg6[%dma_start3A_40, %dma_start3A_41, %dma_start3A_42] : memref<5x128x128xf32, #tpu.memory_space<vmem>> -> memref<1x128x128xf32, #tpu.memory_space<vmem>>
      %dma_start3A_44 = tpu.memref_squeeze %dma_start3A_43 : memref<1x128x128xf32, #tpu.memory_space<vmem>> -> memref<128x128xf32, #tpu.memory_space<vmem>>
      %dma_start3A_45 = arith.constant 0 : i32
      %dma_start3A_46 = tpu.memref_slice %arg5[%add3A_39, %dma_start3A_45] : memref<80x128xi32, #tpu.memory_space<vmem>> -> memref<1x128xi32, #tpu.memory_space<vmem>>
      %dma_start3A_47 = tpu.memref_squeeze %dma_start3A_46 : memref<1x128xi32, #tpu.memory_space<vmem>> -> memref<128xi32, #tpu.memory_space<vmem>>
      %dma_start3A_48 = arith.constant 0 : i32
      %dma_start3A_49 = arith.constant 0 : i32
      %dma_start3A_50 = tpu.memref_slice %arg2[%dma_start3A_48, %dma_start3A_49] : memref<10240x128xf32, #tpu.memory_space<hbm>> -> memref<10240x128xf32, #tpu.memory_space<hbm>>
      tpu.enqueue_indirect_dma source(%dma_start3A_50 : memref<10240x128xf32, #tpu.memory_space<hbm>>) target(%dma_start3A_44 : memref<128x128xf32, #tpu.memory_space<vmem>>) offsets(%dma_start3A_47 : memref<128xi32, #tpu.memory_space<vmem>>) semaphore(%arg9 : memref<!tpu.dma_semaphore, #tpu.memory_space<semaphore_mem>>)
      %add3A_51 = arith.constant 2 : i32
      %add3A_52 = arith.addi %mul3A_24, %add3A_51 : i32
      %dma_start3A_53 = arith.constant 2 : i32
      %dma_start3A_54 = arith.constant 0 : i32
      %dma_start3A_55 = arith.constant 0 : i32
      %dma_start3A_56 = tpu.memref_slice %arg6[%dma_start3A_53, %dma_start3A_54, %dma_start3A_55] : memref<5x128x128xf32, #tpu.memory_space<vmem>> -> memref<1x128x128xf32, #tpu.memory_space<vmem>>
      %dma_start3A_57 = tpu.memref_squeeze %dma_start3A_56 : memref<1x128x128xf32, #tpu.memory_space<vmem>> -> memref<128x128xf32, #tpu.memory_space<vmem>>
      %dma_start3A_58 = arith.constant 0 : i32
      %dma_start3A_59 = tpu.memref_slice %arg5[%add3A_52, %dma_start3A_58] : memref<80x128xi32, #tpu.memory_space<vmem>> -> memref<1x128xi32, #tpu.memory_space<vmem>>
      %dma_start3A_60 = tpu.memref_squeeze %dma_start3A_59 : memref<1x128xi32, #tpu.memory_space<vmem>> -> memref<128xi32, #tpu.memory_space<vmem>>
      %dma_start3A_61 = arith.constant 0 : i32
      %dma_start3A_62 = arith.constant 0 : i32
      %dma_start3A_63 = tpu.memref_slice %arg2[%dma_start3A_61, %dma_start3A_62] : memref<10240x128xf32, #tpu.memory_space<hbm>> -> memref<10240x128xf32, #tpu.memory_space<hbm>>
      tpu.enqueue_indirect_dma source(%dma_start3A_63 : memref<10240x128xf32, #tpu.memory_space<hbm>>) target(%dma_start3A_57 : memref<128x128xf32, #tpu.memory_space<vmem>>) offsets(%dma_start3A_60 : memref<128xi32, #tpu.memory_space<vmem>>) semaphore(%arg10 : memref<!tpu.dma_semaphore, #tpu.memory_space<semaphore_mem>>)
      %add3A_64 = arith.constant 3 : i32
      %add3A_65 = arith.addi %mul3A_24, %add3A_64 : i32
      %dma_start3A_66 = arith.constant 3 : i32
      %dma_start3A_67 = arith.constant 0 : i32
      %dma_start3A_68 = arith.constant 0 : i32
      %dma_start3A_69 = tpu.memref_slice %arg6[%dma_start3A_66, %dma_start3A_67, %dma_start3A_68] : memref<5x128x128xf32, #tpu.memory_space<vmem>> -> memref<1x128x128xf32, #tpu.memory_space<vmem>>
      %dma_start3A_70 = tpu.memref_squeeze %dma_start3A_69 : memref<1x128x128xf32, #tpu.memory_space<vmem>> -> memref<128x128xf32, #tpu.memory_space<vmem>>
      %dma_start3A_71 = arith.constant 0 : i32
      %dma_start3A_72 = tpu.memref_slice %arg5[%add3A_65, %dma_start3A_71] : memref<80x128xi32, #tpu.memory_space<vmem>> -> memref<1x128xi32, #tpu.memory_space<vmem>>
      %dma_start3A_73 = tpu.memref_squeeze %dma_start3A_72 : memref<1x128xi32, #tpu.memory_space<vmem>> -> memref<128xi32, #tpu.memory_space<vmem>>
      %dma_start3A_74 = arith.constant 0 : i32
      %dma_start3A_75 = arith.constant 0 : i32
      %dma_start3A_76 = tpu.memref_slice %arg2[%dma_start3A_74, %dma_start3A_75] : memref<10240x128xf32, #tpu.memory_space<hbm>> -> memref<10240x128xf32, #tpu.memory_space<hbm>>
      tpu.enqueue_indirect_dma source(%dma_start3A_76 : memref<10240x128xf32, #tpu.memory_space<hbm>>) target(%dma_start3A_70 : memref<128x128xf32, #tpu.memory_space<vmem>>) offsets(%dma_start3A_73 : memref<128xi32, #tpu.memory_space<vmem>>) semaphore(%arg11 : memref<!tpu.dma_semaphore, #tpu.memory_space<semaphore_mem>>)
      %add3A_77 = arith.constant 4 : i32
      %add3A_78 = arith.addi %mul3A_24, %add3A_77 : i32
      %dma_start3A_79 = arith.constant 4 : i32
      %dma_start3A_80 = arith.constant 0 : i32
      %dma_start3A_81 = arith.constant 0 : i32
      %dma_start3A_82 = tpu.memref_slice %arg6[%dma_start3A_79, %dma_start3A_80, %dma_start3A_81] : memref<5x128x128xf32, #tpu.memory_space<vmem>> -> memref<1x128x128xf32, #tpu.memory_space<vmem>>
      %dma_start3A_83 = tpu.memref_squeeze %dma_start3A_82 : memref<1x128x128xf32, #tpu.memory_space<vmem>> -> memref<128x128xf32, #tpu.memory_space<vmem>>
      %dma_start3A_84 = arith.constant 0 : i32
      %dma_start3A_85 = tpu.memref_slice %arg5[%add3A_78, %dma_start3A_84] : memref<80x128xi32, #tpu.memory_space<vmem>> -> memref<1x128xi32, #tpu.memory_space<vmem>>
      %dma_start3A_86 = tpu.memref_squeeze %dma_start3A_85 : memref<1x128xi32, #tpu.memory_space<vmem>> -> memref<128xi32, #tpu.memory_space<vmem>>
      %dma_start3A_87 = arith.constant 0 : i32
      %dma_start3A_88 = arith.constant 0 : i32
      %dma_start3A_89 = tpu.memref_slice %arg2[%dma_start3A_87, %dma_start3A_88] : memref<10240x128xf32, #tpu.memory_space<hbm>> -> memref<10240x128xf32, #tpu.memory_space<hbm>>
      tpu.enqueue_indirect_dma source(%dma_start3A_89 : memref<10240x128xf32, #tpu.memory_space<hbm>>) target(%dma_start3A_83 : memref<128x128xf32, #tpu.memory_space<vmem>>) offsets(%dma_start3A_86 : memref<128xi32, #tpu.memory_space<vmem>>) semaphore(%arg12 : memref<!tpu.dma_semaphore, #tpu.memory_space<semaphore_mem>>)
      %dma_wait3A_90 = arith.constant 0 : i32
      %dma_wait3A_91 = arith.constant 0 : i32
      %dma_wait3A_92 = arith.constant 0 : i32
      %dma_wait3A_93 = tpu.memref_slice %arg6[%dma_wait3A_90, %dma_wait3A_91, %dma_wait3A_92] : memref<5x128x128xf32, #tpu.memory_space<vmem>> -> memref<1x128x128xf32, #tpu.memory_space<vmem>>
      %dma_wait3A_94 = tpu.memref_squeeze %dma_wait3A_93 : memref<1x128x128xf32, #tpu.memory_space<vmem>> -> memref<128x128xf32, #tpu.memory_space<vmem>>
      %dma_wait3A_95 = arith.constant 0 : i32
      %dma_wait3A_96 = tpu.memref_slice %arg5[%add3A_26, %dma_wait3A_95] : memref<80x128xi32, #tpu.memory_space<vmem>> -> memref<1x128xi32, #tpu.memory_space<vmem>>
      %dma_wait3A_97 = tpu.memref_squeeze %dma_wait3A_96 : memref<1x128xi32, #tpu.memory_space<vmem>> -> memref<128xi32, #tpu.memory_space<vmem>>
      %dma_wait3A_98 = arith.constant 0 : i32
      %dma_wait3A_99 = arith.constant 0 : i32
      %dma_wait3A_100 = tpu.memref_slice %arg2[%dma_wait3A_98, %dma_wait3A_99] : memref<10240x128xf32, #tpu.memory_space<hbm>> -> memref<10240x128xf32, #tpu.memory_space<hbm>>
      tpu.wait_indirect_dma semaphore(%arg8 : memref<!tpu.dma_semaphore, #tpu.memory_space<semaphore_mem>>) src(%dma_wait3A_100 : memref<10240x128xf32, #tpu.memory_space<hbm>>) dst(%dma_wait3A_94 : memref<128x128xf32, #tpu.memory_space<vmem>>)
      %add3A_101 = arith.constant 0 : i32
      %add3A_102 = arith.addi %mul3A_24, %add3A_101 : i32
      %mul3A_103 = arith.constant 128 : i32
      %mul3A_104 = arith.muli %add3A_102, %mul3A_103 : i32
      %add3A_105 = arith.addi %mul3A_2, %mul3A_104 : i32
      %dma_start3A_106 = arith.constant 0 : i32
      %dma_start3A_107 = arith.constant 0 : i32
      %dma_start3A_108 = arith.constant 0 : i32
      %dma_start3A_109 = tpu.memref_slice %arg6[%dma_start3A_106, %dma_start3A_107, %dma_start3A_108] : memref<5x128x128xf32, #tpu.memory_space<vmem>> -> memref<1x128x128xf32, #tpu.memory_space<vmem>>
      %dma_start3A_110 = tpu.memref_squeeze %dma_start3A_109 : memref<1x128x128xf32, #tpu.memory_space<vmem>> -> memref<128x128xf32, #tpu.memory_space<vmem>>
      %dma_start3A_111 = arith.constant 0 : i32
      %dma_start3A_112 = tpu.memref_slice %arg4[%add3A_105, %dma_start3A_111] : memref<327680x128xf32, #tpu.memory_space<hbm>> -> memref<128x128xf32, #tpu.memory_space<hbm>>
      %dma_start3A_113 = arith.constant 0 : i32
      %dma_start3A_114 = tpu.memref_slice %arg4[%add3A_105, %dma_start3A_113] : memref<327680x128xf32, #tpu.memory_space<hbm>> -> memref<128x128xf32, #tpu.memory_space<hbm>>
      %dma_start3A_115 = arith.constant 0 : i32
      %dma_start3A_116 = arith.constant 0 : i32
      %dma_start3A_117 = tpu.memref_slice %arg6[%dma_start3A_106, %dma_start3A_115, %dma_start3A_116] : memref<5x128x128xf32, #tpu.memory_space<vmem>> -> memref<1x128x128xf32, #tpu.memory_space<vmem>>
      %dma_start3A_118 = tpu.memref_squeeze %dma_start3A_117 : memref<1x128x128xf32, #tpu.memory_space<vmem>> -> memref<128x128xf32, #tpu.memory_space<vmem>>
      tpu.enqueue_dma source(%dma_start3A_118 : memref<128x128xf32, #tpu.memory_space<vmem>>) target(%dma_start3A_114 : memref<128x128xf32, #tpu.memory_space<hbm>>) target_semaphore(%arg13 : memref<!tpu.dma_semaphore, #tpu.memory_space<semaphore_mem>>)
      %dma_wait3A_119 = arith.constant 1 : i32
      %dma_wait3A_120 = arith.constant 0 : i32
      %dma_wait3A_121 = arith.constant 0 : i32
      %dma_wait3A_122 = tpu.memref_slice %arg6[%dma_wait3A_119, %dma_wait3A_120, %dma_wait3A_121] : memref<5x128x128xf32, #tpu.memory_space<vmem>> -> memref<1x128x128xf32, #tpu.memory_space<vmem>>
      %dma_wait3A_123 = tpu.memref_squeeze %dma_wait3A_122 : memref<1x128x128xf32, #tpu.memory_space<vmem>> -> memref<128x128xf32, #tpu.memory_space<vmem>>
      %dma_wait3A_124 = arith.constant 0 : i32
      %dma_wait3A_125 = tpu.memref_slice %arg5[%add3A_39, %dma_wait3A_124] : memref<80x128xi32, #tpu.memory_space<vmem>> -> memref<1x128xi32, #tpu.memory_space<vmem>>
      %dma_wait3A_126 = tpu.memref_squeeze %dma_wait3A_125 : memref<1x128xi32, #tpu.memory_space<vmem>> -> memref<128xi32, #tpu.memory_space<vmem>>
      %dma_wait3A_127 = arith.constant 0 : i32
      %dma_wait3A_128 = arith.constant 0 : i32
      %dma_wait3A_129 = tpu.memref_slice %arg2[%dma_wait3A_127, %dma_wait3A_128] : memref<10240x128xf32, #tpu.memory_space<hbm>> -> memref<10240x128xf32, #tpu.memory_space<hbm>>
      tpu.wait_indirect_dma semaphore(%arg9 : memref<!tpu.dma_semaphore, #tpu.memory_space<semaphore_mem>>) src(%dma_wait3A_129 : memref<10240x128xf32, #tpu.memory_space<hbm>>) dst(%dma_wait3A_123 : memref<128x128xf32, #tpu.memory_space<vmem>>)
      %add3A_130 = arith.constant 1 : i32
      %add3A_131 = arith.addi %mul3A_24, %add3A_130 : i32
      %mul3A_132 = arith.constant 128 : i32
      %mul3A_133 = arith.muli %add3A_131, %mul3A_132 : i32
      %add3A_134 = arith.addi %mul3A_2, %mul3A_133 : i32
      %dma_start3A_135 = arith.constant 1 : i32
      %dma_start3A_136 = arith.constant 0 : i32
      %dma_start3A_137 = arith.constant 0 : i32
      %dma_start3A_138 = tpu.memref_slice %arg6[%dma_start3A_135, %dma_start3A_136, %dma_start3A_137] : memref<5x128x128xf32, #tpu.memory_space<vmem>> -> memref<1x128x128xf32, #tpu.memory_space<vmem>>
      %dma_start3A_139 = tpu.memref_squeeze %dma_start3A_138 : memref<1x128x128xf32, #tpu.memory_space<vmem>> -> memref<128x128xf32, #tpu.memory_space<vmem>>
      %dma_start3A_140 = arith.constant 0 : i32
      %dma_start3A_141 = tpu.memref_slice %arg4[%add3A_134, %dma_start3A_140] : memref<327680x128xf32, #tpu.memory_space<hbm>> -> memref<128x128xf32, #tpu.memory_space<hbm>>
      %dma_start3A_142 = arith.constant 0 : i32
      %dma_start3A_143 = tpu.memref_slice %arg4[%add3A_134, %dma_start3A_142] : memref<327680x128xf32, #tpu.memory_space<hbm>> -> memref<128x128xf32, #tpu.memory_space<hbm>>
      %dma_start3A_144 = arith.constant 0 : i32
      %dma_start3A_145 = arith.constant 0 : i32
      %dma_start3A_146 = tpu.memref_slice %arg6[%dma_start3A_135, %dma_start3A_144, %dma_start3A_145] : memref<5x128x128xf32, #tpu.memory_space<vmem>> -> memref<1x128x128xf32, #tpu.memory_space<vmem>>
      %dma_start3A_147 = tpu.memref_squeeze %dma_start3A_146 : memref<1x128x128xf32, #tpu.memory_space<vmem>> -> memref<128x128xf32, #tpu.memory_space<vmem>>
      tpu.enqueue_dma source(%dma_start3A_147 : memref<128x128xf32, #tpu.memory_space<vmem>>) target(%dma_start3A_143 : memref<128x128xf32, #tpu.memory_space<hbm>>) target_semaphore(%arg14 : memref<!tpu.dma_semaphore, #tpu.memory_space<semaphore_mem>>)
      %dma_wait3A_148 = arith.constant 2 : i32
      %dma_wait3A_149 = arith.constant 0 : i32
      %dma_wait3A_150 = arith.constant 0 : i32
      %dma_wait3A_151 = tpu.memref_slice %arg6[%dma_wait3A_148, %dma_wait3A_149, %dma_wait3A_150] : memref<5x128x128xf32, #tpu.memory_space<vmem>> -> memref<1x128x128xf32, #tpu.memory_space<vmem>>
      %dma_wait3A_152 = tpu.memref_squeeze %dma_wait3A_151 : memref<1x128x128xf32, #tpu.memory_space<vmem>> -> memref<128x128xf32, #tpu.memory_space<vmem>>
      %dma_wait3A_153 = arith.constant 0 : i32
      %dma_wait3A_154 = tpu.memref_slice %arg5[%add3A_52, %dma_wait3A_153] : memref<80x128xi32, #tpu.memory_space<vmem>> -> memref<1x128xi32, #tpu.memory_space<vmem>>
      %dma_wait3A_155 = tpu.memref_squeeze %dma_wait3A_154 : memref<1x128xi32, #tpu.memory_space<vmem>> -> memref<128xi32, #tpu.memory_space<vmem>>
      %dma_wait3A_156 = arith.constant 0 : i32
      %dma_wait3A_157 = arith.constant 0 : i32
      %dma_wait3A_158 = tpu.memref_slice %arg2[%dma_wait3A_156, %dma_wait3A_157] : memref<10240x128xf32, #tpu.memory_space<hbm>> -> memref<10240x128xf32, #tpu.memory_space<hbm>>
      tpu.wait_indirect_dma semaphore(%arg10 : memref<!tpu.dma_semaphore, #tpu.memory_space<semaphore_mem>>) src(%dma_wait3A_158 : memref<10240x128xf32, #tpu.memory_space<hbm>>) dst(%dma_wait3A_152 : memref<128x128xf32, #tpu.memory_space<vmem>>)
      %add3A_159 = arith.constant 2 : i32
      %add3A_160 = arith.addi %mul3A_24, %add3A_159 : i32
      %mul3A_161 = arith.constant 128 : i32
      %mul3A_162 = arith.muli %add3A_160, %mul3A_161 : i32
      %add3A_163 = arith.addi %mul3A_2, %mul3A_162 : i32
      %dma_start3A_164 = arith.constant 2 : i32
      %dma_start3A_165 = arith.constant 0 : i32
      %dma_start3A_166 = arith.constant 0 : i32
      %dma_start3A_167 = tpu.memref_slice %arg6[%dma_start3A_164, %dma_start3A_165, %dma_start3A_166] : memref<5x128x128xf32, #tpu.memory_space<vmem>> -> memref<1x128x128xf32, #tpu.memory_space<vmem>>
      %dma_start3A_168 = tpu.memref_squeeze %dma_start3A_167 : memref<1x128x128xf32, #tpu.memory_space<vmem>> -> memref<128x128xf32, #tpu.memory_space<vmem>>
      %dma_start3A_169 = arith.constant 0 : i32
      %dma_start3A_170 = tpu.memref_slice %arg4[%add3A_163, %dma_start3A_169] : memref<327680x128xf32, #tpu.memory_space<hbm>> -> memref<128x128xf32, #tpu.memory_space<hbm>>
      %dma_start3A_171 = arith.constant 0 : i32
      %dma_start3A_172 = tpu.memref_slice %arg4[%add3A_163, %dma_start3A_171] : memref<327680x128xf32, #tpu.memory_space<hbm>> -> memref<128x128xf32, #tpu.memory_space<hbm>>
      %dma_start3A_173 = arith.constant 0 : i32
      %dma_start3A_174 = arith.constant 0 : i32
      %dma_start3A_175 = tpu.memref_slice %arg6[%dma_start3A_164, %dma_start3A_173, %dma_start3A_174] : memref<5x128x128xf32, #tpu.memory_space<vmem>> -> memref<1x128x128xf32, #tpu.memory_space<vmem>>
      %dma_start3A_176 = tpu.memref_squeeze %dma_start3A_175 : memref<1x128x128xf32, #tpu.memory_space<vmem>> -> memref<128x128xf32, #tpu.memory_space<vmem>>
      tpu.enqueue_dma source(%dma_start3A_176 : memref<128x128xf32, #tpu.memory_space<vmem>>) target(%dma_start3A_172 : memref<128x128xf32, #tpu.memory_space<hbm>>) target_semaphore(%arg15 : memref<!tpu.dma_semaphore, #tpu.memory_space<semaphore_mem>>)
      %dma_wait3A_177 = arith.constant 3 : i32
      %dma_wait3A_178 = arith.constant 0 : i32
      %dma_wait3A_179 = arith.constant 0 : i32
      %dma_wait3A_180 = tpu.memref_slice %arg6[%dma_wait3A_177, %dma_wait3A_178, %dma_wait3A_179] : memref<5x128x128xf32, #tpu.memory_space<vmem>> -> memref<1x128x128xf32, #tpu.memory_space<vmem>>
      %dma_wait3A_181 = tpu.memref_squeeze %dma_wait3A_180 : memref<1x128x128xf32, #tpu.memory_space<vmem>> -> memref<128x128xf32, #tpu.memory_space<vmem>>
      %dma_wait3A_182 = arith.constant 0 : i32
      %dma_wait3A_183 = tpu.memref_slice %arg5[%add3A_65, %dma_wait3A_182] : memref<80x128xi32, #tpu.memory_space<vmem>> -> memref<1x128xi32, #tpu.memory_space<vmem>>
      %dma_wait3A_184 = tpu.memref_squeeze %dma_wait3A_183 : memref<1x128xi32, #tpu.memory_space<vmem>> -> memref<128xi32, #tpu.memory_space<vmem>>
      %dma_wait3A_185 = arith.constant 0 : i32
      %dma_wait3A_186 = arith.constant 0 : i32
      %dma_wait3A_187 = tpu.memref_slice %arg2[%dma_wait3A_185, %dma_wait3A_186] : memref<10240x128xf32, #tpu.memory_space<hbm>> -> memref<10240x128xf32, #tpu.memory_space<hbm>>
      tpu.wait_indirect_dma semaphore(%arg11 : memref<!tpu.dma_semaphore, #tpu.memory_space<semaphore_mem>>) src(%dma_wait3A_187 : memref<10240x128xf32, #tpu.memory_space<hbm>>) dst(%dma_wait3A_181 : memref<128x128xf32, #tpu.memory_space<vmem>>)
      %add3A_188 = arith.constant 3 : i32
      %add3A_189 = arith.addi %mul3A_24, %add3A_188 : i32
      %mul3A_190 = arith.constant 128 : i32
      %mul3A_191 = arith.muli %add3A_189, %mul3A_190 : i32
      %add3A_192 = arith.addi %mul3A_2, %mul3A_191 : i32
      %dma_start3A_193 = arith.constant 3 : i32
      %dma_start3A_194 = arith.constant 0 : i32
      %dma_start3A_195 = arith.constant 0 : i32
      %dma_start3A_196 = tpu.memref_slice %arg6[%dma_start3A_193, %dma_start3A_194, %dma_start3A_195] : memref<5x128x128xf32, #tpu.memory_space<vmem>> -> memref<1x128x128xf32, #tpu.memory_space<vmem>>
      %dma_start3A_197 = tpu.memref_squeeze %dma_start3A_196 : memref<1x128x128xf32, #tpu.memory_space<vmem>> -> memref<128x128xf32, #tpu.memory_space<vmem>>
      %dma_start3A_198 = arith.constant 0 : i32
      %dma_start3A_199 = tpu.memref_slice %arg4[%add3A_192, %dma_start3A_198] : memref<327680x128xf32, #tpu.memory_space<hbm>> -> memref<128x128xf32, #tpu.memory_space<hbm>>
      %dma_start3A_200 = arith.constant 0 : i32
      %dma_start3A_201 = tpu.memref_slice %arg4[%add3A_192, %dma_start3A_200] : memref<327680x128xf32, #tpu.memory_space<hbm>> -> memref<128x128xf32, #tpu.memory_space<hbm>>
      %dma_start3A_202 = arith.constant 0 : i32
      %dma_start3A_203 = arith.constant 0 : i32
      %dma_start3A_204 = tpu.memref_slice %arg6[%dma_start3A_193, %dma_start3A_202, %dma_start3A_203] : memref<5x128x128xf32, #tpu.memory_space<vmem>> -> memref<1x128x128xf32, #tpu.memory_space<vmem>>
      %dma_start3A_205 = tpu.memref_squeeze %dma_start3A_204 : memref<1x128x128xf32, #tpu.memory_space<vmem>> -> memref<128x128xf32, #tpu.memory_space<vmem>>
      tpu.enqueue_dma source(%dma_start3A_205 : memref<128x128xf32, #tpu.memory_space<vmem>>) target(%dma_start3A_201 : memref<128x128xf32, #tpu.memory_space<hbm>>) target_semaphore(%arg16 : memref<!tpu.dma_semaphore, #tpu.memory_space<semaphore_mem>>)
      %dma_wait3A_206 = arith.constant 4 : i32
      %dma_wait3A_207 = arith.constant 0 : i32
      %dma_wait3A_208 = arith.constant 0 : i32
      %dma_wait3A_209 = tpu.memref_slice %arg6[%dma_wait3A_206, %dma_wait3A_207, %dma_wait3A_208] : memref<5x128x128xf32, #tpu.memory_space<vmem>> -> memref<1x128x128xf32, #tpu.memory_space<vmem>>
      %dma_wait3A_210 = tpu.memref_squeeze %dma_wait3A_209 : memref<1x128x128xf32, #tpu.memory_space<vmem>> -> memref<128x128xf32, #tpu.memory_space<vmem>>
      %dma_wait3A_211 = arith.constant 0 : i32
      %dma_wait3A_212 = tpu.memref_slice %arg5[%add3A_78, %dma_wait3A_211] : memref<80x128xi32, #tpu.memory_space<vmem>> -> memref<1x128xi32, #tpu.memory_space<vmem>>
      %dma_wait3A_213 = tpu.memref_squeeze %dma_wait3A_212 : memref<1x128xi32, #tpu.memory_space<vmem>> -> memref<128xi32, #tpu.memory_space<vmem>>
      %dma_wait3A_214 = arith.constant 0 : i32
      %dma_wait3A_215 = arith.constant 0 : i32
      %dma_wait3A_216 = tpu.memref_slice %arg2[%dma_wait3A_214, %dma_wait3A_215] : memref<10240x128xf32, #tpu.memory_space<hbm>> -> memref<10240x128xf32, #tpu.memory_space<hbm>>
      tpu.wait_indirect_dma semaphore(%arg12 : memref<!tpu.dma_semaphore, #tpu.memory_space<semaphore_mem>>) src(%dma_wait3A_216 : memref<10240x128xf32, #tpu.memory_space<hbm>>) dst(%dma_wait3A_210 : memref<128x128xf32, #tpu.memory_space<vmem>>)
      %add3A_217 = arith.constant 4 : i32
      %add3A_218 = arith.addi %mul3A_24, %add3A_217 : i32
      %mul3A_219 = arith.constant 128 : i32
      %mul3A_220 = arith.muli %add3A_218, %mul3A_219 : i32
      %add3A_221 = arith.addi %mul3A_2, %mul3A_220 : i32
      %dma_start3A_222 = arith.constant 4 : i32
      %dma_start3A_223 = arith.constant 0 : i32
      %dma_start3A_224 = arith.constant 0 : i32
      %dma_start3A_225 = tpu.memref_slice %arg6[%dma_start3A_222, %dma_start3A_223, %dma_start3A_224] : memref<5x128x128xf32, #tpu.memory_space<vmem>> -> memref<1x128x128xf32, #tpu.memory_space<vmem>>
      %dma_start3A_226 = tpu.memref_squeeze %dma_start3A_225 : memref<1x128x128xf32, #tpu.memory_space<vmem>> -> memref<128x128xf32, #tpu.memory_space<vmem>>
      %dma_start3A_227 = arith.constant 0 : i32
      %dma_start3A_228 = tpu.memref_slice %arg4[%add3A_221, %dma_start3A_227] : memref<327680x128xf32, #tpu.memory_space<hbm>> -> memref<128x128xf32, #tpu.memory_space<hbm>>
      %dma_start3A_229 = arith.constant 0 : i32
      %dma_start3A_230 = tpu.memref_slice %arg4[%add3A_221, %dma_start3A_229] : memref<327680x128xf32, #tpu.memory_space<hbm>> -> memref<128x128xf32, #tpu.memory_space<hbm>>
      %dma_start3A_231 = arith.constant 0 : i32
      %dma_start3A_232 = arith.constant 0 : i32
      %dma_start3A_233 = tpu.memref_slice %arg6[%dma_start3A_222, %dma_start3A_231, %dma_start3A_232] : memref<5x128x128xf32, #tpu.memory_space<vmem>> -> memref<1x128x128xf32, #tpu.memory_space<vmem>>
      %dma_start3A_234 = tpu.memref_squeeze %dma_start3A_233 : memref<1x128x128xf32, #tpu.memory_space<vmem>> -> memref<128x128xf32, #tpu.memory_space<vmem>>
      tpu.enqueue_dma source(%dma_start3A_234 : memref<128x128xf32, #tpu.memory_space<vmem>>) target(%dma_start3A_230 : memref<128x128xf32, #tpu.memory_space<hbm>>) target_semaphore(%arg17 : memref<!tpu.dma_semaphore, #tpu.memory_space<semaphore_mem>>)
      %dma_wait3A_235 = arith.constant 0 : i32
      %dma_wait3A_236 = arith.constant 0 : i32
      %dma_wait3A_237 = arith.constant 0 : i32
      %dma_wait3A_238 = tpu.memref_slice %arg6[%dma_wait3A_235, %dma_wait3A_236, %dma_wait3A_237] : memref<5x128x128xf32, #tpu.memory_space<vmem>> -> memref<1x128x128xf32, #tpu.memory_space<vmem>>
      %dma_wait3A_239 = tpu.memref_squeeze %dma_wait3A_238 : memref<1x128x128xf32, #tpu.memory_space<vmem>> -> memref<128x128xf32, #tpu.memory_space<vmem>>
      %dma_wait3A_240 = arith.constant 0 : i32
      %dma_wait3A_241 = tpu.memref_slice %arg4[%add3A_105, %dma_wait3A_240] : memref<327680x128xf32, #tpu.memory_space<hbm>> -> memref<128x128xf32, #tpu.memory_space<hbm>>
      %dma_wait3A_242 = arith.constant 0 : i32
      %dma_wait3A_243 = tpu.memref_slice %arg4[%add3A_105, %dma_wait3A_242] : memref<327680x128xf32, #tpu.memory_space<hbm>> -> memref<128x128xf32, #tpu.memory_space<hbm>>
      %dma_wait3A_244 = arith.constant 0 : i32
      %dma_wait3A_245 = arith.constant 0 : i32
      %dma_wait3A_246 = tpu.memref_slice %arg6[%dma_wait3A_235, %dma_wait3A_244, %dma_wait3A_245] : memref<5x128x128xf32, #tpu.memory_space<vmem>> -> memref<1x128x128xf32, #tpu.memory_space<vmem>>
      %dma_wait3A_247 = tpu.memref_squeeze %dma_wait3A_246 : memref<1x128x128xf32, #tpu.memory_space<vmem>> -> memref<128x128xf32, #tpu.memory_space<vmem>>
      tpu.wait_dma2 semaphore(%arg13 : memref<!tpu.dma_semaphore, #tpu.memory_space<semaphore_mem>>) src(%dma_wait3A_247 : memref<128x128xf32, #tpu.memory_space<vmem>>) dst(%dma_wait3A_243 : memref<128x128xf32, #tpu.memory_space<hbm>>)
      %dma_wait3A_248 = arith.constant 1 : i32
      %dma_wait3A_249 = arith.constant 0 : i32
      %dma_wait3A_250 = arith.constant 0 : i32
      %dma_wait3A_251 = tpu.memref_slice %arg6[%dma_wait3A_248, %dma_wait3A_249, %dma_wait3A_250] : memref<5x128x128xf32, #tpu.memory_space<vmem>> -> memref<1x128x128xf32, #tpu.memory_space<vmem>>
      %dma_wait3A_252 = tpu.memref_squeeze %dma_wait3A_251 : memref<1x128x128xf32, #tpu.memory_space<vmem>> -> memref<128x128xf32, #tpu.memory_space<vmem>>
      %dma_wait3A_253 = arith.constant 0 : i32
      %dma_wait3A_254 = tpu.memref_slice %arg4[%add3A_134, %dma_wait3A_253] : memref<327680x128xf32, #tpu.memory_space<hbm>> -> memref<128x128xf32, #tpu.memory_space<hbm>>
      %dma_wait3A_255 = arith.constant 0 : i32
      %dma_wait3A_256 = tpu.memref_slice %arg4[%add3A_134, %dma_wait3A_255] : memref<327680x128xf32, #tpu.memory_space<hbm>> -> memref<128x128xf32, #tpu.memory_space<hbm>>
      %dma_wait3A_257 = arith.constant 0 : i32
      %dma_wait3A_258 = arith.constant 0 : i32
      %dma_wait3A_259 = tpu.memref_slice %arg6[%dma_wait3A_248, %dma_wait3A_257, %dma_wait3A_258] : memref<5x128x128xf32, #tpu.memory_space<vmem>> -> memref<1x128x128xf32, #tpu.memory_space<vmem>>
      %dma_wait3A_260 = tpu.memref_squeeze %dma_wait3A_259 : memref<1x128x128xf32, #tpu.memory_space<vmem>> -> memref<128x128xf32, #tpu.memory_space<vmem>>
      tpu.wait_dma2 semaphore(%arg14 : memref<!tpu.dma_semaphore, #tpu.memory_space<semaphore_mem>>) src(%dma_wait3A_260 : memref<128x128xf32, #tpu.memory_space<vmem>>) dst(%dma_wait3A_256 : memref<128x128xf32, #tpu.memory_space<hbm>>)
      %dma_wait3A_261 = arith.constant 2 : i32
      %dma_wait3A_262 = arith.constant 0 : i32
      %dma_wait3A_263 = arith.constant 0 : i32
      %dma_wait3A_264 = tpu.memref_slice %arg6[%dma_wait3A_261, %dma_wait3A_262, %dma_wait3A_263] : memref<5x128x128xf32, #tpu.memory_space<vmem>> -> memref<1x128x128xf32, #tpu.memory_space<vmem>>
      %dma_wait3A_265 = tpu.memref_squeeze %dma_wait3A_264 : memref<1x128x128xf32, #tpu.memory_space<vmem>> -> memref<128x128xf32, #tpu.memory_space<vmem>>
      %dma_wait3A_266 = arith.constant 0 : i32
      %dma_wait3A_267 = tpu.memref_slice %arg4[%add3A_163, %dma_wait3A_266] : memref<327680x128xf32, #tpu.memory_space<hbm>> -> memref<128x128xf32, #tpu.memory_space<hbm>>
      %dma_wait3A_268 = arith.constant 0 : i32
      %dma_wait3A_269 = tpu.memref_slice %arg4[%add3A_163, %dma_wait3A_268] : memref<327680x128xf32, #tpu.memory_space<hbm>> -> memref<128x128xf32, #tpu.memory_space<hbm>>
      %dma_wait3A_270 = arith.constant 0 : i32
      %dma_wait3A_271 = arith.constant 0 : i32
      %dma_wait3A_272 = tpu.memref_slice %arg6[%dma_wait3A_261, %dma_wait3A_270, %dma_wait3A_271] : memref<5x128x128xf32, #tpu.memory_space<vmem>> -> memref<1x128x128xf32, #tpu.memory_space<vmem>>
      %dma_wait3A_273 = tpu.memref_squeeze %dma_wait3A_272 : memref<1x128x128xf32, #tpu.memory_space<vmem>> -> memref<128x128xf32, #tpu.memory_space<vmem>>
      tpu.wait_dma2 semaphore(%arg15 : memref<!tpu.dma_semaphore, #tpu.memory_space<semaphore_mem>>) src(%dma_wait3A_273 : memref<128x128xf32, #tpu.memory_space<vmem>>) dst(%dma_wait3A_269 : memref<128x128xf32, #tpu.memory_space<hbm>>)
      %dma_wait3A_274 = arith.constant 3 : i32
      %dma_wait3A_275 = arith.constant 0 : i32
      %dma_wait3A_276 = arith.constant 0 : i32
      %dma_wait3A_277 = tpu.memref_slice %arg6[%dma_wait3A_274, %dma_wait3A_275, %dma_wait3A_276] : memref<5x128x128xf32, #tpu.memory_space<vmem>> -> memref<1x128x128xf32, #tpu.memory_space<vmem>>
      %dma_wait3A_278 = tpu.memref_squeeze %dma_wait3A_277 : memref<1x128x128xf32, #tpu.memory_space<vmem>> -> memref<128x128xf32, #tpu.memory_space<vmem>>
      %dma_wait3A_279 = arith.constant 0 : i32
      %dma_wait3A_280 = tpu.memref_slice %arg4[%add3A_192, %dma_wait3A_279] : memref<327680x128xf32, #tpu.memory_space<hbm>> -> memref<128x128xf32, #tpu.memory_space<hbm>>
      %dma_wait3A_281 = arith.constant 0 : i32
      %dma_wait3A_282 = tpu.memref_slice %arg4[%add3A_192, %dma_wait3A_281] : memref<327680x128xf32, #tpu.memory_space<hbm>> -> memref<128x128xf32, #tpu.memory_space<hbm>>
      %dma_wait3A_283 = arith.constant 0 : i32
      %dma_wait3A_284 = arith.constant 0 : i32
      %dma_wait3A_285 = tpu.memref_slice %arg6[%dma_wait3A_274, %dma_wait3A_283, %dma_wait3A_284] : memref<5x128x128xf32, #tpu.memory_space<vmem>> -> memref<1x128x128xf32, #tpu.memory_space<vmem>>
      %dma_wait3A_286 = tpu.memref_squeeze %dma_wait3A_285 : memref<1x128x128xf32, #tpu.memory_space<vmem>> -> memref<128x128xf32, #tpu.memory_space<vmem>>
      tpu.wait_dma2 semaphore(%arg16 : memref<!tpu.dma_semaphore, #tpu.memory_space<semaphore_mem>>) src(%dma_wait3A_286 : memref<128x128xf32, #tpu.memory_space<vmem>>) dst(%dma_wait3A_282 : memref<128x128xf32, #tpu.memory_space<hbm>>)
      %dma_wait3A_287 = arith.constant 4 : i32
      %dma_wait3A_288 = arith.constant 0 : i32
      %dma_wait3A_289 = arith.constant 0 : i32
      %dma_wait3A_290 = tpu.memref_slice %arg6[%dma_wait3A_287, %dma_wait3A_288, %dma_wait3A_289] : memref<5x128x128xf32, #tpu.memory_space<vmem>> -> memref<1x128x128xf32, #tpu.memory_space<vmem>>
      %dma_wait3A_291 = tpu.memref_squeeze %dma_wait3A_290 : memref<1x128x128xf32, #tpu.memory_space<vmem>> -> memref<128x128xf32, #tpu.memory_space<vmem>>
      %dma_wait3A_292 = arith.constant 0 : i32
      %dma_wait3A_293 = tpu.memref_slice %arg4[%add3A_221, %dma_wait3A_292] : memref<327680x128xf32, #tpu.memory_space<hbm>> -> memref<128x128xf32, #tpu.memory_space<hbm>>
      %dma_wait3A_294 = arith.constant 0 : i32
      %dma_wait3A_295 = tpu.memref_slice %arg4[%add3A_221, %dma_wait3A_294] : memref<327680x128xf32, #tpu.memory_space<hbm>> -> memref<128x128xf32, #tpu.memory_space<hbm>>
      %dma_wait3A_296 = arith.constant 0 : i32
      %dma_wait3A_297 = arith.constant 0 : i32
      %dma_wait3A_298 = tpu.memref_slice %arg6[%dma_wait3A_287, %dma_wait3A_296, %dma_wait3A_297] : memref<5x128x128xf32, #tpu.memory_space<vmem>> -> memref<1x128x128xf32, #tpu.memory_space<vmem>>
      %dma_wait3A_299 = tpu.memref_squeeze %dma_wait3A_298 : memref<1x128x128xf32, #tpu.memory_space<vmem>> -> memref<128x128xf32, #tpu.memory_space<vmem>>
      tpu.wait_dma2 semaphore(%arg17 : memref<!tpu.dma_semaphore, #tpu.memory_space<semaphore_mem>>) src(%dma_wait3A_299 : memref<128x128xf32, #tpu.memory_space<vmem>>) dst(%dma_wait3A_295 : memref<128x128xf32, #tpu.memory_space<hbm>>)
    }
    %scan3A_21 = arith.constant 16 : i32
    return
  }
}

module attributes {stable_mosaic.version = 14 : i64} {
  func.func @prep_fn(%arg0: i32, %arg1: memref<2048x128xf32, #tpu.memory_space<vmem>>, %arg2: memref<144x128xf32, #tpu.memory_space<vmem>>, %arg3: memref<1x128xf32, #tpu.memory_space<vmem>>, %arg4: memref<128x128xf32, #tpu.memory_space<vmem>>, %arg5: memref<320x128xf32, #tpu.memory_space<vmem>>, %arg6: memref<1x128xf32, #tpu.memory_space<vmem>>, %arg7: memref<8x64xf32, #tpu.memory_space<vmem>>, %arg8: memref<1x128xf32, #tpu.memory_space<vmem>>, %arg9: memref<2048x128xf32, #tpu.memory_space<vmem>>, %arg10: memref<128x128xf32, #tpu.memory_space<vmem>>, %arg11: memref<1x128xf32, #tpu.memory_space<vmem>>, %arg12: memref<8x128xf32, #tpu.memory_space<vmem>>) attributes {dimension_semantics = [#tpu.dimension_semantics<arbitrary>], iteration_bounds = array<i64: 5>, scalar_prefetch = 0 : i64, scratch_operands = 0 : i64, tpu.core_type = #tpu.core_type<tc>, window_params = [{transform_indices = @transform_0, window_bounds = array<i64: 2048, 128>}, {pipeline_mode = #tpu.pipeline_mode<synchronous>, transform_indices = @transform_1, window_bounds = array<i64: 144, 128>}, {pipeline_mode = #tpu.pipeline_mode<synchronous>, transform_indices = @transform_2, window_bounds = array<i64: 1, 128>}, {pipeline_mode = #tpu.pipeline_mode<synchronous>, transform_indices = @transform_3, window_bounds = array<i64: 128, 128>}, {pipeline_mode = #tpu.pipeline_mode<synchronous>, transform_indices = @transform_4, window_bounds = array<i64: 320, 128>}, {pipeline_mode = #tpu.pipeline_mode<synchronous>, transform_indices = @transform_5, window_bounds = array<i64: 1, 128>}, {pipeline_mode = #tpu.pipeline_mode<synchronous>, transform_indices = @transform_6, window_bounds = array<i64: 8, 64>}, {pipeline_mode = #tpu.pipeline_mode<synchronous>, transform_indices = @transform_7, window_bounds = array<i64: 1, 128>}, {transform_indices = @transform_8, window_bounds = array<i64: 2048, 128>}, {pipeline_mode = #tpu.pipeline_mode<synchronous>, transform_indices = @transform_9, window_bounds = array<i64: 128, 128>}, {pipeline_mode = #tpu.pipeline_mode<synchronous>, transform_indices = @transform_10, window_bounds = array<i64: 1, 128>}, {pipeline_mode = #tpu.pipeline_mode<synchronous>, transform_indices = @transform_11, window_bounds = array<i64: 8, 128>}]} {
    %get3A = arith.constant 0 : index
    %get3A_0 = arith.constant 0 : index
    %get3A_1 = vector.load %arg2[%get3A, %get3A_0] : memref<144x128xf32, #tpu.memory_space<vmem>>, vector<128x128xf32>
    %get3A_2 = arith.constant 0 : index
    %get3A_3 = arith.constant 0 : index
    %get3A_4 = vector.load %arg1[%get3A_2, %get3A_3] : memref<2048x128xf32, #tpu.memory_space<vmem>>, vector<2048x128xf32>
    %dot_general3A = arith.constant dense<0.000000e+00> : vector<2048x128xf32>
    %dot_general3A_5 = tpu.matmul %get3A_4, %get3A_1, %dot_general3A {dimension_numbers = #tpu.dot_dimension_numbers<[1], [0], [0], [1], [0, 0, 1, 1], [], []>, transpose_lhs_hint = false} : vector<2048x128xf32>, vector<128x128xf32>, vector<2048x128xf32> -> vector<2048x128xf32>
    %get3A_6 = arith.constant 0 : index
    %get3A_7 = arith.constant 0 : index
    %get3A_8 = vector.load %arg3[%get3A_6, %get3A_7] : memref<1x128xf32, #tpu.memory_space<vmem>>, vector<1x128xf32>
    %add3A = vector.broadcast %get3A_8 : vector<1x128xf32> to vector<2048x128xf32>
    %add3A_9 = arith.addf %dot_general3A_5, %add3A : vector<2048x128xf32>
    %swap3A = arith.constant 0 : index
    %swap3A_10 = arith.constant 0 : index
    %swap3A_11 = vector.load %arg9[%swap3A, %swap3A_10] : memref<2048x128xf32, #tpu.memory_space<vmem>>, vector<2048x128xf32>
    tpu.vector_store %arg9[%swap3A, %swap3A_10], %add3A_9 {strides = array<i32>} : memref<2048x128xf32, #tpu.memory_space<vmem>>, vector<2048x128xf32>,
    %get3A_12 = arith.constant 128 : index
    %get3A_13 = arith.constant 0 : index
    %get3A_14 = vector.load %arg5[%get3A_12, %get3A_13] : memref<320x128xf32, #tpu.memory_space<vmem>>, vector<128x128xf32>
    %get3A_15 = arith.constant 0 : index
    %get3A_16 = arith.constant 0 : index
    %get3A_17 = vector.load %arg4[%get3A_15, %get3A_16] : memref<128x128xf32, #tpu.memory_space<vmem>>, vector<128x128xf32>
    %dot_general3A_18 = arith.constant dense<0.000000e+00> : vector<128x128xf32>
    %dot_general3A_19 = tpu.matmul %get3A_17, %get3A_14, %dot_general3A_18 {dimension_numbers = #tpu.dot_dimension_numbers<[1], [0], [0], [1], [0, 0, 1, 1], [], []>, transpose_lhs_hint = false} : vector<128x128xf32>, vector<128x128xf32>, vector<128x128xf32> -> vector<128x128xf32>
    %swap3A_20 = arith.constant 0 : index
    %swap3A_21 = arith.constant 0 : index
    %swap3A_22 = vector.load %arg10[%swap3A_20, %swap3A_21] : memref<128x128xf32, #tpu.memory_space<vmem>>, vector<128x128xf32>
    tpu.vector_store %arg10[%swap3A_20, %swap3A_21], %dot_general3A_19 {strides = array<i32>} : memref<128x128xf32, #tpu.memory_space<vmem>>, vector<128x128xf32>,
    %get3A_23 = arith.constant 0 : index
    %get3A_24 = arith.constant 0 : index
    %get3A_25 = vector.load %arg6[%get3A_23, %get3A_24] : memref<1x128xf32, #tpu.memory_space<vmem>>, vector<1x128xf32>
    %dot_general3A_26 = arith.constant dense<0.000000e+00> : vector<1x128xf32>
    %dot_general3A_27 = tpu.matmul %get3A_25, %get3A_14, %dot_general3A_26 {dimension_numbers = #tpu.dot_dimension_numbers<[1], [0], [0], [1], [0, 0, 1, 1], [], []>, transpose_lhs_hint = false} : vector<1x128xf32>, vector<128x128xf32>, vector<1x128xf32> -> vector<1x128xf32>
    %swap3A_28 = arith.constant 0 : index
    %swap3A_29 = arith.constant 0 : index
    %swap3A_30 = vector.load %arg11[%swap3A_28, %swap3A_29] : memref<1x128xf32, #tpu.memory_space<vmem>>, vector<1x128xf32>
    tpu.vector_store %arg11[%swap3A_28, %swap3A_29], %dot_general3A_27 {strides = array<i32>} : memref<1x128xf32, #tpu.memory_space<vmem>>, vector<1x128xf32>,
    %get3A_31 = arith.constant 0 : index
    %get3A_32 = arith.constant 0 : index
    %get3A_33 = vector.load %arg7[%get3A_31, %get3A_32] : memref<8x64xf32, #tpu.memory_space<vmem>>, vector<8x64xf32>
    %get3A_34 = arith.constant 256 : index
    %get3A_35 = arith.constant 0 : index
    %get3A_36 = vector.load %arg5[%get3A_34, %get3A_35] : memref<320x128xf32, #tpu.memory_space<vmem>>, vector<64x128xf32>
    %dot_general3A_37 = arith.constant dense<0.000000e+00> : vector<8x128xf32>
    %dot_general3A_38 = tpu.matmul %get3A_33, %get3A_36, %dot_general3A_37 {dimension_numbers = #tpu.dot_dimension_numbers<[1], [0], [0], [1], [0, 0, 1, 1], [], []>, transpose_lhs_hint = false} : vector<8x64xf32>, vector<64x128xf32>, vector<8x128xf32> -> vector<8x128xf32>
    %get3A_39 = arith.constant 0 : index
    %get3A_40 = arith.constant 0 : index
    %get3A_41 = vector.load %arg8[%get3A_39, %get3A_40] : memref<1x128xf32, #tpu.memory_space<vmem>>, vector<1x128xf32>
    %add3A_42 = vector.broadcast %get3A_41 : vector<1x128xf32> to vector<8x128xf32>
    %add3A_43 = arith.addf %dot_general3A_38, %add3A_42 : vector<8x128xf32>
    %swap3A_44 = arith.constant 0 : index
    %swap3A_45 = arith.constant 0 : index
    %swap3A_46 = vector.load %arg12[%swap3A_44, %swap3A_45] : memref<8x128xf32, #tpu.memory_space<vmem>>, vector<8x128xf32>
    tpu.vector_store %arg12[%swap3A_44, %swap3A_45], %add3A_43 {strides = array<i32>} : memref<8x128xf32, #tpu.memory_space<vmem>>, vector<8x128xf32>,
    return
  }
  func.func @transform_0(%arg0: i32) -> (i32, i32) {
    %c0_i32 = arith.constant 0 : i32
    %c0_i32_0 = arith.constant 0 : i32
    return %arg0, %c0_i32 : i32, i32
  }
  func.func @transform_1(%arg0: i32) -> (i32, i32) {
    %c0_i32 = arith.constant 0 : i32
    %c0_i32_0 = arith.constant 0 : i32
    %c0_i32_1 = arith.constant 0 : i32
    return %c0_i32, %c0_i32_0 : i32, i32
  }
  func.func @transform_2(%arg0: i32) -> (i32, i32) {
    %c0_i32 = arith.constant 0 : i32
    %c0_i32_0 = arith.constant 0 : i32
    %c0_i32_1 = arith.constant 0 : i32
    return %c0_i32, %c0_i32_0 : i32, i32
  }
  func.func @transform_3(%arg0: i32) -> (i32, i32) {
    %c0_i32 = arith.constant 0 : i32
    %c0_i32_0 = arith.constant 0 : i32
    %c0_i32_1 = arith.constant 0 : i32
    return %c0_i32, %c0_i32_0 : i32, i32
  }
  func.func @transform_4(%arg0: i32) -> (i32, i32) {
    %c0_i32 = arith.constant 0 : i32
    %c0_i32_0 = arith.constant 0 : i32
    %c0_i32_1 = arith.constant 0 : i32
    return %c0_i32, %c0_i32_0 : i32, i32
  }
  func.func @transform_5(%arg0: i32) -> (i32, i32) {
    %c0_i32 = arith.constant 0 : i32
    %c0_i32_0 = arith.constant 0 : i32
    %c0_i32_1 = arith.constant 0 : i32
    return %c0_i32, %c0_i32_0 : i32, i32
  }
  func.func @transform_6(%arg0: i32) -> (i32, i32) {
    %c0_i32 = arith.constant 0 : i32
    %c0_i32_0 = arith.constant 0 : i32
    %c0_i32_1 = arith.constant 0 : i32
    return %c0_i32, %c0_i32_0 : i32, i32
  }
  func.func @transform_7(%arg0: i32) -> (i32, i32) {
    %c0_i32 = arith.constant 0 : i32
    %c0_i32_0 = arith.constant 0 : i32
    %c0_i32_1 = arith.constant 0 : i32
    return %c0_i32, %c0_i32_0 : i32, i32
  }
  func.func @transform_8(%arg0: i32) -> (i32, i32) {
    %c0_i32 = arith.constant 0 : i32
    %c0_i32_0 = arith.constant 0 : i32
    return %arg0, %c0_i32 : i32, i32
  }
  func.func @transform_9(%arg0: i32) -> (i32, i32) {
    %c0_i32 = arith.constant 0 : i32
    %c0_i32_0 = arith.constant 0 : i32
    %c0_i32_1 = arith.constant 0 : i32
    return %c0_i32, %c0_i32_0 : i32, i32
  }
  func.func @transform_10(%arg0: i32) -> (i32, i32) {
    %c0_i32 = arith.constant 0 : i32
    %c0_i32_0 = arith.constant 0 : i32
    %c0_i32_1 = arith.constant 0 : i32
    return %c0_i32, %c0_i32_0 : i32, i32
  }
  func.func @transform_11(%arg0: i32) -> (i32, i32) {
    %c0_i32 = arith.constant 0 : i32
    %c0_i32_0 = arith.constant 0 : i32
    %c0_i32_1 = arith.constant 0 : i32
    return %c0_i32, %c0_i32_0 : i32, i32
  }
}

module attributes {stable_mosaic.version = 14 : i64} {
  func.func @edge_fn(%arg0: i32, %arg1: memref<8192x128xf32, #tpu.memory_space<vmem>>, %arg2: memref<8192x16xf32, #tpu.memory_space<vmem>>, %arg3: memref<144x128xf32, #tpu.memory_space<vmem>>, %arg4: memref<8192x128xf32, #tpu.memory_space<vmem>>) attributes {dimension_semantics = [#tpu.dimension_semantics<arbitrary>], iteration_bounds = array<i64: 40>, scalar_prefetch = 0 : i64, scratch_operands = 0 : i64, tpu.core_type = #tpu.core_type<tc>, window_params = [{transform_indices = @transform_0, window_bounds = array<i64: 8192, 128>}, {transform_indices = @transform_1, window_bounds = array<i64: 8192, 16>}, {pipeline_mode = #tpu.pipeline_mode<synchronous>, transform_indices = @transform_2, window_bounds = array<i64: 144, 128>}, {transform_indices = @transform_3, window_bounds = array<i64: 8192, 128>}]} {
    %get3A = arith.constant 128 : index
    %get3A_0 = arith.constant 0 : index
    %get3A_1 = vector.load %arg3[%get3A, %get3A_0] : memref<144x128xf32, #tpu.memory_space<vmem>>, vector<16x128xf32>
    %get3A_2 = arith.constant 0 : index
    %get3A_3 = arith.constant 0 : index
    %get3A_4 = vector.load %arg1[%get3A_2, %get3A_3] : memref<8192x128xf32, #tpu.memory_space<vmem>>, vector<8192x128xf32>
    %get3A_5 = arith.constant 0 : index
    %get3A_6 = arith.constant 0 : index
    %get3A_7 = vector.load %arg2[%get3A_5, %get3A_6] : memref<8192x16xf32, #tpu.memory_space<vmem>>, vector<8192x16xf32>
    %dot_general3A = arith.constant dense<0.000000e+00> : vector<8192x128xf32>
    %dot_general3A_8 = tpu.matmul %get3A_7, %get3A_1, %dot_general3A {dimension_numbers = #tpu.dot_dimension_numbers<[1], [0], [0], [1], [0, 0, 1, 1], [], []>, transpose_lhs_hint = false} : vector<8192x16xf32>, vector<16x128xf32>, vector<8192x128xf32> -> vector<8192x128xf32>
    %add3A = arith.addf %get3A_4, %dot_general3A_8 : vector<8192x128xf32>
    %max3A = arith.constant 0.000000e+00 : f32
    %max3A_9 = vector.broadcast %max3A : f32 to vector<8192x128xf32>
    %max3A_10 = arith.maximumf %add3A, %max3A_9 : vector<8192x128xf32>
    %swap3A = arith.constant 0 : index
    %swap3A_11 = arith.constant 0 : index
    %swap3A_12 = vector.load %arg4[%swap3A, %swap3A_11] : memref<8192x128xf32, #tpu.memory_space<vmem>>, vector<8192x128xf32>
    tpu.vector_store %arg4[%swap3A, %swap3A_11], %max3A_10 {strides = array<i32>} : memref<8192x128xf32, #tpu.memory_space<vmem>>, vector<8192x128xf32>,
    return
  }
  func.func @transform_0(%arg0: i32) -> (i32, i32) {
    %c0_i32 = arith.constant 0 : i32
    %c0_i32_0 = arith.constant 0 : i32
    return %arg0, %c0_i32 : i32, i32
  }
  func.func @transform_1(%arg0: i32) -> (i32, i32) {
    %c0_i32 = arith.constant 0 : i32
    %c0_i32_0 = arith.constant 0 : i32
    return %arg0, %c0_i32 : i32, i32
  }
  func.func @transform_2(%arg0: i32) -> (i32, i32) {
    %c0_i32 = arith.constant 0 : i32
    %c0_i32_0 = arith.constant 0 : i32
    %c0_i32_1 = arith.constant 0 : i32
    return %c0_i32, %c0_i32_0 : i32, i32
  }
  func.func @transform_3(%arg0: i32) -> (i32, i32) {
    %c0_i32 = arith.constant 0 : i32
    %c0_i32_0 = arith.constant 0 : i32
    return %arg0, %c0_i32 : i32, i32
  }
}

module attributes {stable_mosaic.version = 14 : i64} {
  func.func @node_fn(%arg0: i32, %arg1: memref<1024x128xf32, #tpu.memory_space<vmem>>, %arg2: memref<2x1024x128xf32, #tpu.memory_space<vmem>>, %arg3: memref<2x1024x1xf32, #tpu.memory_space<vmem>>, %arg4: memref<1024x1xi32, #tpu.memory_space<vmem>>, %arg5: memref<320x128xf32, #tpu.memory_space<vmem>>, %arg6: memref<128x128xf32, #tpu.memory_space<vmem>>, %arg7: memref<1x128xf32, #tpu.memory_space<vmem>>, %arg8: memref<8x128xf32, #tpu.memory_space<vmem>>, %arg9: memref<128x128xf32, #tpu.memory_space<vmem>>, %arg10: memref<1x128xf32, #tpu.memory_space<vmem>>, %arg11: memref<1024x128xf32, #tpu.memory_space<vmem>>) attributes {dimension_semantics = [#tpu.dimension_semantics<arbitrary>], iteration_bounds = array<i64: 10>, scalar_prefetch = 0 : i64, scratch_operands = 0 : i64, tpu.core_type = #tpu.core_type<tc>, window_params = [{transform_indices = @transform_0, window_bounds = array<i64: 1024, 128>}, {transform_indices = @transform_1, window_bounds = array<i64: 2, 1024, 128>}, {transform_indices = @transform_2, window_bounds = array<i64: 2, 1024, 1>}, {transform_indices = @transform_3, window_bounds = array<i64: 1024, 1>}, {pipeline_mode = #tpu.pipeline_mode<synchronous>, transform_indices = @transform_4, window_bounds = array<i64: 320, 128>}, {pipeline_mode = #tpu.pipeline_mode<synchronous>, transform_indices = @transform_5, window_bounds = array<i64: 128, 128>}, {pipeline_mode = #tpu.pipeline_mode<synchronous>, transform_indices = @transform_6, window_bounds = array<i64: 1, 128>}, {pipeline_mode = #tpu.pipeline_mode<synchronous>, transform_indices = @transform_7, window_bounds = array<i64: 8, 128>}, {pipeline_mode = #tpu.pipeline_mode<synchronous>, transform_indices = @transform_8, window_bounds = array<i64: 128, 128>}, {pipeline_mode = #tpu.pipeline_mode<synchronous>, transform_indices = @transform_9, window_bounds = array<i64: 1, 128>}, {transform_indices = @transform_10, window_bounds = array<i64: 1024, 128>}]} {
    %get3A = arith.constant 0 : index
    %get3A_0 = arith.constant 0 : index
    %get3A_1 = arith.constant 0 : index
    %get3A_2 = vector.load %arg2[%get3A, %get3A_0, %get3A_1] : memref<2x1024x128xf32, #tpu.memory_space<vmem>>, vector<1x1024x128xf32>
    %get3A_3 = vector.shape_cast %get3A_2 : vector<1x1024x128xf32> to vector<1024x128xf32>
    %get3A_4 = arith.constant 1 : index
    %get3A_5 = arith.constant 0 : index
    %get3A_6 = arith.constant 0 : index
    %get3A_7 = vector.load %arg2[%get3A_4, %get3A_5, %get3A_6] : memref<2x1024x128xf32, #tpu.memory_space<vmem>>, vector<1x1024x128xf32>
    %get3A_8 = vector.shape_cast %get3A_7 : vector<1x1024x128xf32> to vector<1024x128xf32>
    %add3A = arith.addf %get3A_3, %get3A_8 : vector<1024x128xf32>
    %get3A_9 = arith.constant 0 : index
    %get3A_10 = arith.constant 0 : index
    %get3A_11 = arith.constant 0 : index
    %get3A_12 = vector.load %arg3[%get3A_9, %get3A_10, %get3A_11] : memref<2x1024x1xf32, #tpu.memory_space<vmem>>, vector<1x1024x1xf32>
    %get3A_13 = vector.shape_cast %get3A_12 : vector<1x1024x1xf32> to vector<1024x1xf32>
    %get3A_14 = arith.constant 1 : index
    %get3A_15 = arith.constant 0 : index
    %get3A_16 = arith.constant 0 : index
    %get3A_17 = vector.load %arg3[%get3A_14, %get3A_15, %get3A_16] : memref<2x1024x1xf32, #tpu.memory_space<vmem>>, vector<1x1024x1xf32>
    %get3A_18 = vector.shape_cast %get3A_17 : vector<1x1024x1xf32> to vector<1024x1xf32>
    %add3A_19 = arith.addf %get3A_13, %get3A_18 : vector<1024x1xf32>
    %max3A = arith.constant 1.000000e+00 : f32
    %max3A_20 = vector.broadcast %max3A : f32 to vector<1024x1xf32>
    %max3A_21 = arith.maximumf %add3A_19, %max3A_20 : vector<1024x1xf32>
    %div3A = arith.constant 1.000000e+00 : f32
    %div3A_22 = vector.broadcast %div3A : f32 to vector<1024x1xf32>
    %div3A_23 = arith.divf %div3A_22, %max3A_21 : vector<1024x1xf32>
    %min3A = arith.constant 1.000000e+00 : f32
    %min3A_24 = vector.broadcast %min3A : f32 to vector<1024x1xf32>
    %min3A_25 = arith.minimumf %add3A_19, %min3A_24 : vector<1024x1xf32>
    %get3A_26 = arith.constant 0 : index
    %get3A_27 = arith.constant 0 : index
    %get3A_28 = vector.load %arg4[%get3A_26, %get3A_27] : memref<1024x1xi32, #tpu.memory_space<vmem>>, vector<1024x1xi32>
    %iota3A = tpu.iota {dimensions = array<i32: 1>} : vector<1024x8xi32>
    %eq3A = vector.broadcast %get3A_28 : vector<1024x1xi32> to vector<1024x8xi32>
    %eq3A_29 = arith.cmpi eq, %eq3A, %iota3A : vector<1024x8xi32>
    %convert_element_type3A = arith.extui %eq3A_29 : vector<1024x8xi1> to vector<1024x8xi32>
    %convert_element_type3A_30 = arith.sitofp %convert_element_type3A : vector<1024x8xi32> to vector<1024x8xf32>
    %get3A_31 = arith.constant 0 : index
    %get3A_32 = arith.constant 0 : index
    %get3A_33 = vector.load %arg1[%get3A_31, %get3A_32] : memref<1024x128xf32, #tpu.memory_space<vmem>>, vector<1024x128xf32>
    %get3A_34 = arith.constant 0 : index
    %get3A_35 = arith.constant 0 : index
    %get3A_36 = vector.load %arg5[%get3A_34, %get3A_35] : memref<320x128xf32, #tpu.memory_space<vmem>>, vector<128x128xf32>
    %dot_general3A = arith.constant dense<0.000000e+00> : vector<1024x128xf32>
    %dot_general3A_37 = tpu.matmul %get3A_33, %get3A_36, %dot_general3A {dimension_numbers = #tpu.dot_dimension_numbers<[1], [0], [0], [1], [0, 0, 1, 1], [], []>, transpose_lhs_hint = false} : vector<1024x128xf32>, vector<128x128xf32>, vector<1024x128xf32> -> vector<1024x128xf32>
    %mul3A = vector.broadcast %div3A_23 : vector<1024x1xf32> to vector<1024x128xf32>
    %mul3A_38 = arith.mulf %add3A, %mul3A : vector<1024x128xf32>
    %get3A_39 = arith.constant 0 : index
    %get3A_40 = arith.constant 0 : index
    %get3A_41 = vector.load %arg6[%get3A_39, %get3A_40] : memref<128x128xf32, #tpu.memory_space<vmem>>, vector<128x128xf32>
    %dot_general3A_42 = arith.constant dense<0.000000e+00> : vector<1024x128xf32>
    %dot_general3A_43 = tpu.matmul %mul3A_38, %get3A_41, %dot_general3A_42 {dimension_numbers = #tpu.dot_dimension_numbers<[1], [0], [0], [1], [0, 0, 1, 1], [], []>, transpose_lhs_hint = false} : vector<1024x128xf32>, vector<128x128xf32>, vector<1024x128xf32> -> vector<1024x128xf32>
    %add3A_44 = arith.addf %dot_general3A_37, %dot_general3A_43 : vector<1024x128xf32>
    %get3A_45 = arith.constant 0 : index
    %get3A_46 = arith.constant 0 : index
    %get3A_47 = vector.load %arg7[%get3A_45, %get3A_46] : memref<1x128xf32, #tpu.memory_space<vmem>>, vector<1x128xf32>
    %mul3A_48 = vector.broadcast %min3A_25 : vector<1024x1xf32> to vector<1024x128xf32>
    %mul3A_49 = vector.broadcast %get3A_47 : vector<1x128xf32> to vector<1024x128xf32>
    %mul3A_50 = arith.mulf %mul3A_48, %mul3A_49 : vector<1024x128xf32>
    %add3A_51 = arith.addf %add3A_44, %mul3A_50 : vector<1024x128xf32>
    %get3A_52 = arith.constant 0 : index
    %get3A_53 = arith.constant 0 : index
    %get3A_54 = vector.load %arg8[%get3A_52, %get3A_53] : memref<8x128xf32, #tpu.memory_space<vmem>>, vector<8x128xf32>
    %dot_general3A_55 = arith.constant dense<0.000000e+00> : vector<1024x128xf32>
    %dot_general3A_56 = tpu.matmul %convert_element_type3A_30, %get3A_54, %dot_general3A_55 {dimension_numbers = #tpu.dot_dimension_numbers<[1], [0], [0], [1], [0, 0, 1, 1], [], []>, transpose_lhs_hint = false} : vector<1024x8xf32>, vector<8x128xf32>, vector<1024x128xf32> -> vector<1024x128xf32>
    %add3A_57 = arith.addf %add3A_51, %dot_general3A_56 : vector<1024x128xf32>
    %max3A_58 = arith.constant 0.000000e+00 : f32
    %max3A_59 = vector.broadcast %max3A_58 : f32 to vector<1024x128xf32>
    %max3A_60 = arith.maximumf %add3A_57, %max3A_59 : vector<1024x128xf32>
    %get3A_61 = arith.constant 0 : index
    %get3A_62 = arith.constant 0 : index
    %get3A_63 = vector.load %arg9[%get3A_61, %get3A_62] : memref<128x128xf32, #tpu.memory_space<vmem>>, vector<128x128xf32>
    %dot_general3A_64 = arith.constant dense<0.000000e+00> : vector<1024x128xf32>
    %dot_general3A_65 = tpu.matmul %max3A_60, %get3A_63, %dot_general3A_64 {dimension_numbers = #tpu.dot_dimension_numbers<[1], [0], [0], [1], [0, 0, 1, 1], [], []>, transpose_lhs_hint = false} : vector<1024x128xf32>, vector<128x128xf32>, vector<1024x128xf32> -> vector<1024x128xf32>
    %get3A_66 = arith.constant 0 : index
    %get3A_67 = arith.constant 0 : index
    %get3A_68 = vector.load %arg10[%get3A_66, %get3A_67] : memref<1x128xf32, #tpu.memory_space<vmem>>, vector<1x128xf32>
    %add3A_69 = vector.broadcast %get3A_68 : vector<1x128xf32> to vector<1024x128xf32>
    %add3A_70 = arith.addf %dot_general3A_65, %add3A_69 : vector<1024x128xf32>
    %swap3A = arith.constant 0 : index
    %swap3A_71 = arith.constant 0 : index
    %swap3A_72 = vector.load %arg11[%swap3A, %swap3A_71] : memref<1024x128xf32, #tpu.memory_space<vmem>>, vector<1024x128xf32>
    tpu.vector_store %arg11[%swap3A, %swap3A_71], %add3A_70 {strides = array<i32>} : memref<1024x128xf32, #tpu.memory_space<vmem>>, vector<1024x128xf32>,
    return
  }
  func.func @transform_0(%arg0: i32) -> (i32, i32) {
    %c0_i32 = arith.constant 0 : i32
    %c0_i32_0 = arith.constant 0 : i32
    return %arg0, %c0_i32 : i32, i32
  }
  func.func @transform_1(%arg0: i32) -> (i32, i32, i32) {
    %c0_i32 = arith.constant 0 : i32
    %c0_i32_0 = arith.constant 0 : i32
    %c0_i32_1 = arith.constant 0 : i32
    return %c0_i32, %arg0, %c0_i32_0 : i32, i32, i32
  }
  func.func @transform_2(%arg0: i32) -> (i32, i32, i32) {
    %c0_i32 = arith.constant 0 : i32
    %c0_i32_0 = arith.constant 0 : i32
    %c0_i32_1 = arith.constant 0 : i32
    return %c0_i32, %arg0, %c0_i32_0 : i32, i32, i32
  }
  func.func @transform_3(%arg0: i32) -> (i32, i32) {
    %c0_i32 = arith.constant 0 : i32
    %c0_i32_0 = arith.constant 0 : i32
    return %arg0, %c0_i32 : i32, i32
  }
  func.func @transform_4(%arg0: i32) -> (i32, i32) {
    %c0_i32 = arith.constant 0 : i32
    %c0_i32_0 = arith.constant 0 : i32
    %c0_i32_1 = arith.constant 0 : i32
    return %c0_i32, %c0_i32_0 : i32, i32
  }
  func.func @transform_5(%arg0: i32) -> (i32, i32) {
    %c0_i32 = arith.constant 0 : i32
    %c0_i32_0 = arith.constant 0 : i32
    %c0_i32_1 = arith.constant 0 : i32
    return %c0_i32, %c0_i32_0 : i32, i32
  }
  func.func @transform_6(%arg0: i32) -> (i32, i32) {
    %c0_i32 = arith.constant 0 : i32
    %c0_i32_0 = arith.constant 0 : i32
    %c0_i32_1 = arith.constant 0 : i32
    return %c0_i32, %c0_i32_0 : i32, i32
  }
  func.func @transform_7(%arg0: i32) -> (i32, i32) {
    %c0_i32 = arith.constant 0 : i32
    %c0_i32_0 = arith.constant 0 : i32
    %c0_i32_1 = arith.constant 0 : i32
    return %c0_i32, %c0_i32_0 : i32, i32
  }
  func.func @transform_8(%arg0: i32) -> (i32, i32) {
    %c0_i32 = arith.constant 0 : i32
    %c0_i32_0 = arith.constant 0 : i32
    %c0_i32_1 = arith.constant 0 : i32
    return %c0_i32, %c0_i32_0 : i32, i32
  }
  func.func @transform_9(%arg0: i32) -> (i32, i32) {
    %c0_i32 = arith.constant 0 : i32
    %c0_i32_0 = arith.constant 0 : i32
    %c0_i32_1 = arith.constant 0 : i32
    return %c0_i32, %c0_i32_0 : i32, i32
  }
  func.func @transform_10(%arg0: i32) -> (i32, i32) {
    %c0_i32 = arith.constant 0 : i32
    %c0_i32_0 = arith.constant 0 : i32
    return %arg0, %c0_i32 : i32, i32
  }
}

</mosaic_0001>

<sc_bundles>
// kernel: kernel.10.cloned.1.call-start
scs
__scs_entry_jumppad:
0x0: {  	(pc) =	sbr.rel $0x88, $3  }
0x1: {  	(tag) =	ssettag $0x0;
	lr =	simm.s32 $0x1  }
0x2: {  	[smem:$0x3F94] =	sst lr;
	_ =	strace $0xD0000000  }
0x3: {  	_ = 	snop  }
0x4: {  	_ = 	snop  }
0x5: {  	_ = 	snop  }
0x6: {  	_ = 	snop  }
0x7: {  	_ = 	snop  }
__scs_overlays_trampoline_lowered:
0x8: {  	[smem:$0x3FA3] =	sst s0  }
0x9: {  	[smem:$0x3FA4] =	sst s1  }
0xa: {  	[smem:$0x3FA5] =	sst s2  }
0xb: {  	[smem:$0x3FA6] =	sst s3  }
0xc: {  	[smem:$0x3FA7] =	sst s4  }
0xd: {  	[smem:$0x3FA8] =	sst s5  }
0xe: {  	[smem:$0x3FA9] =	sst s6  }
0xf: {  	[smem:$0x3FAA] =	sst s7  }
0x10: {  	[smem:$0x3FAB] =	sst s8  }
0x11: {  	[smem:$0x3FAC] =	sst s9;
	s0 =	simm.s32 @!p0 $0x0  }
0x12: {  	s1 =	sld [smem:$0x3F92];
	s0 =	simm.s32 @p0 $0x1  }
0x13: {  	[smem:$0x3FAD] =	sst s0;
	s0 =	simm.s32 @!p1 $0x0  }
0x14: {  	s2 =	sld [smem:$0x3F91];
	s0 =	simm.s32 @p1 $0x1  }
0x15: {  	[smem:$0x3FAE] =	sst s0;
	s0 =	simm.s32 @!p2 $0x0  }
0x16: {  	s3 =	sld [smem:$0x3FDB];
	s0 =	simm.s32 @p2 $0x1  }
0x17: {  	s4 =	simm.s32 $0x1BF5;
	[smem:$0x3FB0] =	sst s0  }
0x18: {  	s0 =	sld [smem:$0x3F93];
	_ =	swait.ge [sflag:s4], $0x0  }
0x19: {  	s7 =	sld [smem:$0x3F94]  }
0x1a: {  	s8 =	sadd.s32 $0xFFFFE003, lr  }
0x1b: {  	s9 =	sadd.s32 $0xFFFFFEF7, lr;
	s5 =	simm.s32 $0xFFFFFFFF;
	p2 =	slt.u32 s8, $0xFFFFF086  }
0x1c: {  	p1 =	slt.u32 s9, $0xF7A;
	s5 =	simm.s32 @!p2 $0x0  }
0x1d: {  	s5 =	simm.s32 @p1 $0x1;
	p0 =	seq.s32 s7, s2  }
0x1e: {  	s7 =	smul.u32 @!p0 $0xF7A, s2;
	p2 =	seq.s32 @!p0 s5, $0x0  }
0x1f: {  	s9 =	smul.u32 $0xF7A, s1;
	s8 =	simm.s32 @!p0 $0x1BF5;
	p2 =	por !p2, p0  }
0x20: {  	[sflag:s8] =	ssyncset.s32 @!p0 $0xFFFFF086;
	s6 =	sadd.s32 @!p0 s3, s7;
	s7 =	simm.s32 @!p0 $0x108  }
0x21: {  	s3 =	sadd.s32 s3, s9;
	s6 =	sadd.s32 @!p0 $0x88, s6;
	s7 =	simm.s32 @p2 $0x1082  }
0x22: {  	[simem:s7], [sflag:s8] =	dma.local @!p0 [hbm:s6], $0xF7A  }
0x23: {  	s9 =	sor.u32 $0xD0000000, s2;
	s6 =	simm.s32 $0x108;
	_ =	swait.ge @!p0 [sflag:s8], $0x0  }
0x24: {  	s3 =	sadd.s32 $0x88, s3;
	s6 =	simm.s32 @!p1 $0x1082;
	[sflag:s4] =	ssyncset.s32 $0xFFFFF086  }
0x25: {  	[simem:s6], [sflag:s4] =	dma.local [hbm:s3], $0xF7A  }
0x26: {  	[smem:$0x3F94] =	sst s1;
	(tag) =	ssettag s2;
	_ =	strace s9  }
0x27: {  	s1 =	sld [smem:$0x3FA4]  }
0x28: {  	s2 =	sld [smem:$0x3FA5]  }
0x29: {  	s4 =	sld [smem:$0x3FA7]  }
0x2a: {  	p0 =	seq.s32 s5, $0x0;
	s5 =	sld [smem:$0x3FA8]  }
0x2b: {  	s6 =	sld [smem:$0x3FA9]  }
0x2c: {  	s7 =	sld [smem:$0x3FAA]  }
0x2d: {  	s3 =	simm.s32 $0x108;
	s8 =	sld [smem:$0x3FAB]  }
0x2e: {  	s3 =	simm.s32 @!p0 $0x1082;
	s9 =	sld [smem:$0x3FAC]  }
0x2f: {  	lr =	sadd.s32 s0, s3;
	s0 =	sld [smem:$0x3FA3]  }
0x30: {  	s3 =	sld [smem:$0x3FA6]  }
0x31: {  	[smem:$0x3FAF] =	sst s10  }
0x32: {  	s10 =	sld [smem:$0x3FAD];
	_ =	sdelay $0x3  }
0x33: {  	p0 =	seq.s32 s10, $0x1;
	s10 =	sld [smem:$0x3FAF];
	_ =	sdelay $0x3  }
0x34: {  	[smem:$0x3FAF] =	sst s10  }
0x35: {  	s10 =	sld [smem:$0x3FAE];
	_ =	sdelay $0x3  }
0x36: {  	p1 =	seq.s32 s10, $0x1;
	s10 =	sld [smem:$0x3FAF];
	_ =	sdelay $0x3  }
0x37: {  	[smem:$0x3FAF] =	sst s10  }
0x38: {  	s10 =	sld [smem:$0x3FB0]  }
0x39: {  	_ = 	snop;
	(pc) =	sbr.ind lr, $3  }
0x3a: {  	_ = 	snop  }
0x3b: {  	_ = 	snop  }
0x3c: {  	p2 =	seq.s32 s10, $0x1;
	s10 =	sld [smem:$0x3FAF]  }
0x3d: {  	_ =	shalt  }
0x3e: {  	_ =	shalt  }
0x3f: {  	_ =	shalt  }
0x40: {  	_ =	shalt  }
0x41: {  	_ =	shalt  }
0x42: {  	_ =	shalt  }
0x43: {  	_ =	shalt  }
0x44: {  	_ =	shalt  }
0x45: {  	_ =	shalt  }
0x46: {  	_ =	shalt  }
0x47: {  	_ =	shalt  }
0x48: {  	_ =	shalt  }
0x49: {  	_ =	shalt  }
0x4a: {  	_ =	shalt  }
0x4b: {  	_ =	shalt  }
0x4c: {  	_ =	shalt  }
0x4d: {  	_ =	shalt  }
0x4e: {  	_ =	shalt  }
0x4f: {  	_ =	shalt  }
0x50: {  	_ =	shalt  }
0x51: {  	_ =	shalt  }
0x52: {  	_ =	shalt  }
0x53: {  	_ =	shalt  }
0x54: {  	_ =	shalt  }
0x55: {  	_ =	shalt  }
0x56: {  	_ =	shalt  }
0x57: {  	_ =	shalt  }
0x58: {  	_ =	shalt  }
0x59: {  	_ =	shalt  }
0x5a: {  	_ =	shalt  }
0x5b: {  	_ =	shalt  }
0x5c: {  	_ =	shalt  }
0x5d: {  	_ =	shalt  }
0x5e: {  	_ =	shalt  }
0x5f: {  	_ =	shalt  }
0x60: {  	_ =	shalt  }
0x61: {  	_ =	shalt  }
0x62: {  	_ =	shalt  }
0x63: {  	_ =	shalt  }
0x64: {  	_ =	shalt  }
0x65: {  	_ =	shalt  }
0x66: {  	_ =	shalt  }
0x67: {  	_ =	shalt  }
0x68: {  	_ =	shalt  }
0x69: {  	_ =	shalt  }
0x6a: {  	_ =	shalt  }
0x6b: {  	_ =	shalt  }
0x6c: {  	_ =	shalt  }
0x6d: {  	_ =	shalt  }
0x6e: {  	_ =	shalt  }
0x6f: {  	_ =	shalt  }
0x70: {  	_ =	shalt  }
0x71: {  	_ =	shalt  }
0x72: {  	_ =	shalt  }
0x73: {  	_ =	shalt  }
0x74: {  	_ =	shalt  }
0x75: {  	_ =	shalt  }
0x76: {  	_ =	shalt  }
0x77: {  	_ =	shalt  }
0x78: {  	_ =	shalt  }
0x79: {  	_ =	shalt  }
0x7a: {  	_ =	shalt  }
0x7b: {  	_ =	shalt  }
0x7c: {  	_ =	shalt  }
0x7d: {  	_ =	shalt  }
0x7e: {  	_ =	shalt  }
0x7f: {  	_ =	shalt  }
0x80: {  	_ =	shalt  }
0x81: {  	_ =	shalt  }
0x82: {  	_ =	shalt  }
0x83: {  	_ =	shalt  }
0x84: {  	_ =	shalt  }
0x85: {  	_ =	shalt  }
0x86: {  	_ =	shalt  }
0x87: {  	_ =	shalt  }
.Lfunc_end0:
.L_simem_size_0:
called_computation.1_lowered:
.L_overlay_start_0:
0x88: {  	s2 =	sld [smem:$0x3FD9]  }
0x89: {  	s3 =	sld [smem:$0x3FFE];
	_ =	sdelay $0x1  }
0x8a: {  	s1 =	srdreg.scid  }
0x8b: {  	s0 =	sand.u32 $0x1, s1  }
0x8c: {  	s17 =	sshll.u32 s0, $0xA;
	s2 =	sadd.s32 s3, s2  }
0x8d: {  	s2 =	sadd.s32 s2, s17  }
0x8e: {  	[smem:$0x3FBB] =	sst s2  }
0x8f: {  	_ = 	snop  }
0x90: {  	s2 =	sld [smem:$0x3FD0];
	(tm) =	ssettm $0x1  }
0x91: {  	s18 =	sld [smem:$0x3FFB];
	_ =	sdelay $0x3  }
0x92: {  	_ =	strace s18  }
0x93: {  	s3 =	sld [smem:$0x3FFC];
	_ =	sdelay $0x3  }
0x94: {  	_ =	strace s3  }
0x95: {  	s3 =	sld [smem:$0x3FFD];
	_ =	sdelay $0x3  }
0x96: {  	_ =	strace s3  }
0x97: {  	_ =	strace $0x8FFFFFFF  }
0x98: {  	s19 =	sld [smem:$0x3FDB];
	_ =	sdelay $0x1  }
0x99: {  	s4 =	simm.s32 $_scs_section_size  }
0x9a: {  	s5 =	simm.s32 $_size__tile_overlayer_lowered;
	s6 =	simm.s32 $_tile_overlayer_lowered  }
0x9b: {  	s22 =	simm.s32 $0x1BFF;
	s21 =	sshll.u32 s6, $0x1;
	s3 =	sadd.s32 s4, s19  }
0x9c: {  	s7 =	simm.s32 $0x0;
	s20 =	sshll.u32 s5, $0x1;
	s5 =	sadd.s32 s21, s3  }
0x9d: {  	[timem:s7], [sflag:s22] =	dma.local [hbm:s5], s20  }
0x9e: {  	_ =	swait.ge [sflag:s22], s20  }
0x9f: {  	s4 =	ssub.s32 $0x0, s20;
	[sflag:s22] =	ssyncset.done $0x0  }
0xa0: {  	[sflag:s22] =	ssyncadd.s32 s4;
	_ =	sdelay $0x1  }
0xa1: {  	s23 =	simm.s32 $0x1B8B  }
0xa2: {  	_ =	swait.ge [sflag:s23], $0x1  }
0xa3: {  	[sflag:s23] =	ssyncset.done $0x0  }
0xa4: {  	s25 =	simm.s32 $0x1B8E;
	s24 =	sld [smem:$0x3FFE];
	[sflag:s23] =	ssyncadd.s32 $0xFFFFFFFF  }
0xa5: {  	s26 =	simm.s32 $execute0_lowered;
	[smem:$0x3FD2] =	sst s25  }
0xa6: {  	s5 =	sshll.u32 s26, $0x1;
	_ =	strace $0x80000049;
	[dreg:$0x1] =	wrdreg $0xFFFFFFFF  }
0xa7: {  	s28 =	simm.s32 $_size_execute0_lowered;
	s3 =	sadd.s32 s3, s5;
	[dreg:$0x0] =	wrdreg $0x0  }
0xa8: {  	s5 =	sshll.u32 s28, $0x1;
	[dreg:$0x2] =	wrdreg s3  }
0xa9: {  	[dreg:$0x3] =	wrdreg s5  }
0xaa: {  	[dreg:$0x4] =	wrdreg $0xC0  }
0xab: {  	_ =	task [dreg:s7], $0x5FFFF  }
0xac: {  	[dreg:$0x1] =	wrdreg $0xFFFFFFFF  }
0xad: {  	[dreg:$0x0] =	wrdreg $0x60  }
0xae: {  	[dreg:$0x2] =	wrdreg s24  }
0xaf: {  	[dreg:$0x3] =	wrdreg s2  }
0xb0: {  	[dreg:$0x4] =	wrdreg $0xA8800  }
0xb1: {  	[dreg:$0x5] =	wrdreg $0x1E8800  }
0xb2: {  	[dreg:$0x6] =	wrdreg $0x9  }
0xb3: {  	_ =	task.clear_ibuf [dreg:s7], $0x7FFFF;
	_ =	strace $0x90000049  }
0xb4: {  	s29 =	simm.s32 $0x9;
	_ =	strace $0x8000004B  }
0xb5: {  	_ =	swait.ge [sflag:s29], $0x1  }
0xb6: {  	[sflag:s29] =	ssyncadd.s32 $0xFFFFFFFF  }
0xb7: {  	_ =	strace $0x9000004B  }
0xb8: {  	_ =	sfence  }
0xb9: {  	s30 =	sld [smem:$0x0];
	_ =	sdelay $0x2  }
0xba: {  	s31 =	sshll.u32 s1, $0xD;
	s1 =	sshrl.u32 s1, $0x2  }
0xbb: {  	s3 =	sand.u32 $0x4000, s31;
	s1 =	sadd.s32 s1, s30  }
0xbc: {  	s0 =	sor.u32 s3, s0;
	s1 =	sshll.u32 s1, $0x11  }
0xbd: {  	s0 =	sor.u32 s1, s0  }
0xbe: {  	s0 =	sadd.s32 $0x8F2B, s0  }
0xbf: {  	[sflag:s0] =	ssyncadd.remote.s32 $0x1  }
0xc0: {  	_ =	sfence.sel $0xFFFF  }
0xc1: {  	[dreg:$0x0] =	wrdreg $0xFFFFFFFF;
	(pc) =	sbr.abs _section_cstart, $3  }
0xc2: {  	[dreg:$0x1] =	wrdreg $0xFFFFFFFF  }
0xc3: {  	_ =	task.clear_ibuf [dreg:s7], $0x2FFFF;
	_ =	strace $0x9FFFFFFF  }
0xc4: {  	(tm) =	ssettm $0x7FFFFFFF  }
0xc5: {  	_ =	shalt  }
tec
execute0_lowered:
.L_overlay_start_1:
0x0: {  	(tag) =	ssettag $0x1  }
0x1: {  	s0 =	rddreg [dreg:$0x0]  }
0x2: {  	s5 =	rddreg [dreg:$0x1]  }
0x3: {  	s2 =	rddreg [dreg:$0x2]  }
0x4: {  	s3 =	rddreg [dreg:$0x3];
	s1 =	stileid.u32  }
0x5: {  	s7 =	srdreg.scid;
	s6 =	smul.u32 $0x2800, s1  }
0x6: {  	s4 =	simm.s32 $0x0;
	s19 =	simm.s32 $0x6800;
	s8 =	smul.u32 $0x280, s1  }
0x7: {  	s28 =	simm.s32 $0x7;
	s29 =	simm.s32 $0x0;
	s15 =	smul.u32 $0x50000, s1  }
0x8: {  	s9 =	sand.u32 $0x1, s7;
	[smem:$0x7FF] =	sst s4;
	s23 =	smul.u32 $0x280000, s1  }
0x9: {  	s12 =	sadd.s32 $0xF40600, s0;
	s10 =	sshll.u32 s1, $0x1;
	s7 =	smul.u32 $0x2800, s9  }
0xa: {  	s22 =	sshll.u32 s1, $0x6;
	_ =	strace $0x8000004A;
	s17 =	smul.u32 $0x140000, s9  }
0xb: {  	s10 =	sor.u32 s9, s10;
	s14 =	ssub.s32 $0x2, s9;
	s25 =	smul.u32 $0x28000, s9  }
0xc: {  	s6 =	sadd.s32 s6, s0;
	s11 =	sshrl.u32 s8, $0x3;
	s10 =	smul.u32 $0x2800, s10  }
0xd: {  	s20 =	sshrl.u32 s14, $0x1;
	s21 =	sshrl.u32 s15, $0x2;
	s18 =	sadd.s32 s8, s3  }
0xe: {  	s15 =	sadd.s32 s15, s12;
	s7 =	sadd.s32 s8, s7;
	s11 =	sadd.s32 s11, s0  }
0xf: {  	s14 =	ssub.s32 s14, s20;
	s16 =	sadd.s32 s21, s2;
	s24 =	sadd.s32 $0x35A00, s6  }
0x10: {  	s26 =	sadd.s32 s17, s23;
	s31 =	sadd.s32 s25, s15;
	s15 =	simm.s32 $0x8  }
0x11: {  	s17 =	simm.s32 $0x1;
	s20 =	simm.s32 $0x2;
	s21 =	simm.s32 $0x80  }
0x12: {  	s23 =	simm.s32 $0x3;
	s25 =	simm.s32 $0x6;
	s13 =	sshll.u32 s7, $0x4  }
0x13: {  	s7 =	sshrl.u32 s7, $0x3;
	s10 =	sshrl.u32 s10, $0x3;
	[dreg:$0x6] =	wrdreg s24  }
0x14: {  	s8 =	sadd.s32 $0x3A00, s11;
	s30 =	sshrl.u32 s26, $0x3;
	s11 =	smax.u32 s14, $0x1  }
0x15: {  	s14 =	sshrl.u32 s16, $0x3;
	s16 =	sshrl.u32 s18, $0x3;
	s18 =	simm.s32 $0x2800  }
0x16: {  	s24 =	simm.s32 $0x4;
	s26 =	simm.s32 $0x5;
	s13 =	sadd.s32 s13, s0  }
0x17: {  	s0 =	sadd.s32 s7, s0;
	s5 =	sadd.s32 s5, s10;
	s7 =	sor.u32 $0x1C08, s22  }
0x18: {  	s12 =	sadd.s32 s30, s12;
	s22 =	simm.s32 $0xA800;
	[dreg:$0x5] =	wrdreg s5  }
0x19: {  	v0 =	vimm.f32 $1.000000000e+00;
	s9 =	sadd.s32 $0x5E600, s13;
	s10 =	sadd.s32 $0x4000, s0;
	s13 =	sadd.s32 $0x800, s31  }
.LBB2_1:
0x1a: {  	s0 =	rddreg [dreg:$0x5]  }
0x1b: {  	s6 =	rddreg [dreg:$0x6]  }
0x1c: {  	[tilespmem:s4], [sflag:$0x1] =	stream.linear.gather [hbm4b:s0+s4], $0x2800, $0x38;
	[tilespmem:$0x1EB00] =	vst v63  }
0x1d: {  	[spmem:s14], [sflag:s7] =	dma.local [hbm:s6], $0x2800  }
0x1e: {  	_ =	swait.ge [sflag:s15], $0x2800  }
0x1f: {  	[sflag:s15] =	ssyncset.done $0x0  }
0x20: {  	[sflag:s15] =	ssyncadd.s32 $0xFFFFD800  }
0x21: {  	[spmem:s16], [sflag:s7] =	dma.local [hbm:s8], $0x50  }
0x22: {  	_ =	swait.ge [sflag:s15], $0x50  }
0x23: {  	[sflag:s15] =	ssyncset.done $0x0  }
0x24: {  	[sflag:s15] =	ssyncadd.s32 $0xFFFFFFB0  }
0x25: {  	[tilespmem:$0xA800] =	vst v0  }
0x26: {  	[tilespmem:$0xA810] =	vst v0  }
0x27: {  	[tilespmem:$0xA820] =	vst v0  }
0x28: {  	[tilespmem:$0xA830] =	vst v0  }
0x29: {  	[tilespmem:$0xA840] =	vst v0  }
0x2a: {  	[tilespmem:$0xA850] =	vst v0  }
0x2b: {  	[tilespmem:$0xA860] =	vst v0  }
0x2c: {  	[tilespmem:$0xA870] =	vst v0  }
0x2d: {  	_ =	swait.ge [sflag:s17], $0x2800  }
0x2e: {  	[sflag:s17] =	ssyncset.done $0x0  }
0x2f: {  	[sflag:s17] =	ssyncadd.s32 $0xFFFFD800  }
0x30: {  	s1 =	sadd.s32 $0x0, s12;
	[bflag:$0x0] =	sbarrier.arrive $0xFFFF  }
0x31: {  	[tilespmem:s18], [sflag:$0x2] =	stream.linear.gather [hbm4b:s1+s4], $0x4000, $0x38;
	[tilespmem:$0x1EB00] =	vst v63  }
0x32: {  	s5 =	sadd.s32 $0x0, s13  }
0x33: {  	[tilespmem:s19], [sflag:$0x3] =	stream.linear.gather [hbm4b:s5+s4], $0x4000, $0x38;
	[tilespmem:$0x1EB00] =	vst v63  }
0x34: {  	_ =	swait.ge [sflag:s20], $0x4000  }
0x35: {  	[sflag:s20] =	ssyncset.done $0x0  }
0x36: {  	[sflag:s20] =	ssyncadd.s32 $0xFFFFC000  }
0x37: {  	[spmem:s2] =	stream.indirect.scatter.add.f32 [tilespmem:s18], [sflag:$0x4], $0x80, s4, s21, $0xb8;
	[tilespmem:$0x1EB00] =	vst v63  }
0x38: {  	_ = 	snop  }
0x39: {  	[spmem:s3] =	stream.indirect.scatter.add.f32 [tilespmem:s22], [sflag:$0x6], $0x1, s4, s21, $0xb8;
	[tilespmem:$0x1EB00] =	vst v63  }
0x3a: {  	_ =	swait.ge [sflag:s23], $0x4000  }
0x3b: {  	[sflag:s23] =	ssyncset.done $0x0  }
0x3c: {  	s6 =	simm.s32 $0x80;
	[sflag:s23] =	ssyncadd.s32 $0xFFFFC000  }
0x3d: {  	[spmem:s2] =	stream.indirect.scatter.add.f32 [tilespmem:s19], [sflag:$0x5], $0x80, s6, s21, $0xb8;
	[tilespmem:$0x1EB00] =	vst v63  }
0x3e: {  	_ = 	snop  }
0x3f: {  	[spmem:s3] =	stream.indirect.scatter.add.f32 [tilespmem:s22], [sflag:$0x7], $0x1, s6, s21, $0xb8;
	[tilespmem:$0x1EB00] =	vst v63  }
0x40: {  	_ =	swait.ge [sflag:s24], $0x4000  }
0x41: {  	[sflag:s24] =	ssyncset.done $0x0  }
0x42: {  	[sflag:s24] =	ssyncadd.s32 $0xFFFFC000  }
0x43: {  	_ =	swait.ge [sflag:s25], $0x80  }
0x44: {  	[sflag:s25] =	ssyncset.done $0x0  }
0x45: {  	[sflag:s25] =	ssyncadd.s32 $0xFFFFFF80  }
0x46: {  	_ =	swait.ge [sflag:s26], $0x4000  }
0x47: {  	[sflag:s26] =	ssyncset.done $0x0  }
0x48: {  	[sflag:s26] =	ssyncadd.s32 $0xFFFFC000  }
0x49: {  	s31 =	simm.s32 $0x1000;
	_ =	swait.ge [sflag:s28], $0x80  }
0x4a: {  	s30 =	simm.s32 $0x100;
	s0 =	simm.s32 $0x2000;
	[sflag:s28] =	ssyncset.done $0x0  }
.LBB2_2:
0x4b: {  	s1 =	sadd.s32 s31, s12  }
0x4c: {  	[sflag:s28] =	ssyncadd.s32 $0xFFFFFF80;
	s5 =	smov.u32 s0;
	s6 =	sadd.s32 $0x1000, s0  }
0x4d: {  	[tilespmem:s18], [sflag:$0x2] =	stream.linear.gather [hbm4b:s1+s4], $0x4000, $0x38;
	[tilespmem:$0x1EB00] =	vst v63  }
0x4e: {  	p0 =	sne.s32 s0, $0x27000;
	s0 =	sadd.s32 s31, s13;
	s31 =	smov.u32 s5  }
0x4f: {  	[tilespmem:s19], [sflag:$0x3] =	stream.linear.gather [hbm4b:s0+s4], $0x4000, $0x38;
	[tilespmem:$0x1EB00] =	vst v63  }
0x50: {  	_ =	swait.ge [sflag:s20], $0x4000  }
0x51: {  	[sflag:s20] =	ssyncset.done $0x0  }
0x52: {  	[sflag:s20] =	ssyncadd.s32 $0xFFFFC000  }
0x53: {  	[spmem:s2] =	stream.indirect.scatter.add.f32 [tilespmem:s18], [sflag:$0x4], $0x80, s30, s21, $0xb8;
	[tilespmem:$0x1EB00] =	vst v63  }
0x54: {  	_ = 	snop  }
0x55: {  	[spmem:s3] =	stream.indirect.scatter.add.f32 [tilespmem:s22], [sflag:$0x6], $0x1, s30, s21, $0xb8;
	[tilespmem:$0x1EB00] =	vst v63  }
0x56: {  	_ =	swait.ge [sflag:s23], $0x4000  }
0x57: {  	[sflag:s23] =	ssyncset.done $0x0  }
0x58: {  	s0 =	sadd.s32 $0x80, s30;
	[sflag:s23] =	ssyncadd.s32 $0xFFFFC000  }
0x59: {  	[spmem:s2] =	stream.indirect.scatter.add.f32 [tilespmem:s19], [sflag:$0x5], $0x80, s0, s21, $0xb8;
	[tilespmem:$0x1EB00] =	vst v63  }
0x5a: {  	_ = 	snop  }
0x5b: {  	[spmem:s3] =	stream.indirect.scatter.add.f32 [tilespmem:s22], [sflag:$0x7], $0x1, s0, s21, $0xb8;
	[tilespmem:$0x1EB00] =	vst v63  }
0x5c: {  	_ =	swait.ge [sflag:s24], $0x4000  }
0x5d: {  	[sflag:s24] =	ssyncset.done $0x0  }
0x5e: {  	[sflag:s24] =	ssyncadd.s32 $0xFFFFC000  }
0x5f: {  	_ =	swait.ge [sflag:s25], $0x80  }
0x60: {  	[sflag:s25] =	ssyncset.done $0x0  }
0x61: {  	[sflag:s25] =	ssyncadd.s32 $0xFFFFFF80  }
.Ltmp0:
0x62: {  	_ =	swait.ge [sflag:s26], $0x4000;
	(pc) =	sbr.rel @p0 .LBB2_2-.Ltmp0, $4  }
0x63: {  	[sflag:s26] =	ssyncset.done $0x0  }
0x64: {  	[sflag:s26] =	ssyncadd.s32 $0xFFFFC000  }
0x65: {  	_ =	swait.ge [sflag:s28], $0x80  }
0x66: {  	s30 =	sadd.s32 $0x100, s30;
	s0 =	smov.u32 s6;
	[sflag:s28] =	ssyncset.done $0x0  }
0x67: {  	s0 =	sadd.s32 s31, s12;
	[sflag:s28] =	ssyncadd.s32 $0xFFFFFF80  }
0x68: {  	[tilespmem:s18], [sflag:$0x2] =	stream.linear.gather [hbm4b:s0+s4], $0x4000, $0x38;
	[tilespmem:$0x1EB00] =	vst v63  }
0x69: {  	s6 =	sadd.s32 s31, s13  }
0x6a: {  	[tilespmem:s19], [sflag:$0x3] =	stream.linear.gather [hbm4b:s6+s4], $0x4000, $0x38;
	[tilespmem:$0x1EB00] =	vst v63  }
0x6b: {  	_ =	swait.ge [sflag:s20], $0x4000  }
0x6c: {  	[sflag:s20] =	ssyncset.done $0x0  }
0x6d: {  	[sflag:s20] =	ssyncadd.s32 $0xFFFFC000  }
0x6e: {  	[spmem:s2] =	stream.indirect.scatter.add.f32 [tilespmem:s18], [sflag:$0x4], $0x80, s30, s21, $0xb8;
	[tilespmem:$0x1EB00] =	vst v63  }
0x6f: {  	_ = 	snop  }
0x70: {  	[spmem:s3] =	stream.indirect.scatter.add.f32 [tilespmem:s22], [sflag:$0x6], $0x1, s30, s21, $0xb8;
	[tilespmem:$0x1EB00] =	vst v63  }
0x71: {  	_ =	swait.ge [sflag:s23], $0x4000  }
0x72: {  	[sflag:s23] =	ssyncset.done $0x0  }
0x73: {  	s31 =	sadd.s32 $0x80, s30;
	[sflag:s23] =	ssyncadd.s32 $0xFFFFC000  }
0x74: {  	[spmem:s2] =	stream.indirect.scatter.add.f32 [tilespmem:s19], [sflag:$0x5], $0x80, s31, s21, $0xb8;
	[tilespmem:$0x1EB00] =	vst v63  }
0x75: {  	_ = 	snop  }
0x76: {  	[spmem:s3] =	stream.indirect.scatter.add.f32 [tilespmem:s22], [sflag:$0x7], $0x1, s31, s21, $0xb8;
	[tilespmem:$0x1EB00] =	vst v63  }
0x77: {  	_ =	swait.ge [sflag:s24], $0x4000  }
0x78: {  	[sflag:s24] =	ssyncset.done $0x0  }
0x79: {  	[sflag:s24] =	ssyncadd.s32 $0xFFFFC000  }
0x7a: {  	_ =	swait.ge [sflag:s25], $0x80  }
0x7b: {  	[sflag:s25] =	ssyncset.done $0x0  }
0x7c: {  	[sflag:s25] =	ssyncadd.s32 $0xFFFFFF80  }
0x7d: {  	_ =	swait.ge [sflag:s26], $0x4000  }
0x7e: {  	[sflag:s26] =	ssyncset.done $0x0  }
0x7f: {  	[sflag:s26] =	ssyncadd.s32 $0xFFFFC000  }
0x80: {  	_ =	swait.ge [sflag:s28], $0x80  }
0x81: {  	[sflag:s28] =	ssyncset.done $0x0  }
0x82: {  	[sflag:s28] =	ssyncadd.s32 $0xFFFFFF80  }
0x83: {  	[bflag:$0x0] =	sbarrier.arrive $0xFFFF  }
0x84: {  	[hbm:s9], [sflag:s7] =	dma.local [spmem:s14], $0x2800  }
0x85: {  	s29 =	sadd.s32 $0x1, s29;
	_ =	swait.ge [sflag:s15], $0x2800  }
0x86: {  	p0 =	sne.s32 s29, s11;
	[sflag:s15] =	ssyncset.done $0x0  }
.Ltmp1:
0x87: {  	[sflag:s15] =	ssyncadd.s32 $0xFFFFD800;
	(pc) =	sbr.rel @p0 .LBB2_1-.Ltmp1, $4  }
0x88: {  	[hbm:s10], [sflag:s7] =	dma.local [spmem:s16], $0x50  }
0x89: {  	_ =	swait.ge [sflag:s15], $0x50  }
0x8a: {  	[sflag:s15] =	ssyncset.done $0x0  }
0x8b: {  	[sflag:s15] =	ssyncadd.s32 $0xFFFFFFB0  }
0x8c: {  	_ =	sfence.sel $0x180000  }
0x8d: {  	[bflag:$0x0] =	sbarrier.arrive $0xFFFF  }
0x8e: {  	_ =	strace $0x9000004A  }
0x8f: {  	s0 =	stileid.u32;
	[bflag:$0x2] =	sbarrier.arrive $0xFFFF  }
0x90: {  	p0 =	sne.s32 s0, $0x0;
	s0 =	rddreg [dreg:$0x4]  }
0x91: {  	s0 =	sadd.s32 @!p0 $0x100000, s0  }
0x92: {  	[sflag:s0] =	ssyncadd.tile.s32 @!p0 $0x1;
	_ =	shalt  }
.Lfunc_end2:
_tile_overlayer_lowered:
.L_overlay_start_2:
0x93: {  	(tag) =	ssettag $0x2  }
0x94: {  	s0 =	rddreg [dreg:$0x0];
	s2 =	stileid.u32  }
0x95: {  	s1 =	rddreg [dreg:$0x1];
	p0 =	sne.s32 s2, $0x0  }
0x96: {  	s3 =	rddreg [dreg:$0x2];
	[bflag:$0x3] =	sbarrier.arrive $0xFFFF;
	s2 =	simm.s32 @!p0 $0x1C08  }
0x97: {  	[timem:s3], [sflag:s2] =	dma.local @!p0 [hbm:s0], s1  }
0x98: {  	s0 =	simm.s32 @!p0 $0x8  }
0x99: {  	_ =	swait.ge @!p0 [sflag:s0], s1  }
0x9a: {  	s1 =	ssub.s32 @!p0 $0x0, s1;
	[sflag:s0] =	ssyncset.done @!p0 $0x0  }
0x9b: {  	[sflag:s0] =	ssyncadd.s32 @!p0 s1  }
0x9c: {  	[bflag:$0x3] =	sbarrier.arrive $0xFFFF  }
0x9d: {  	_ =	shalt  }

// kernel: kernel.7.cloned.1.call-start
scs
__scs_entry_jumppad:
0x0: {  	(pc) =	sbr.rel $0x88, $3  }
0x1: {  	(tag) =	ssettag $0x0;
	lr =	simm.s32 $0x1  }
0x2: {  	[smem:$0x3F94] =	sst lr;
	_ =	strace $0xD0000000  }
0x3: {  	_ = 	snop  }
0x4: {  	_ = 	snop  }
0x5: {  	_ = 	snop  }
0x6: {  	_ = 	snop  }
0x7: {  	_ = 	snop  }
__scs_overlays_trampoline_lowered:
0x8: {  	[smem:$0x3FA3] =	sst s0  }
0x9: {  	[smem:$0x3FA4] =	sst s1  }
0xa: {  	[smem:$0x3FA5] =	sst s2  }
0xb: {  	[smem:$0x3FA6] =	sst s3  }
0xc: {  	[smem:$0x3FA7] =	sst s4  }
0xd: {  	[smem:$0x3FA8] =	sst s5  }
0xe: {  	[smem:$0x3FA9] =	sst s6  }
0xf: {  	[smem:$0x3FAA] =	sst s7  }
0x10: {  	[smem:$0x3FAB] =	sst s8  }
0x11: {  	[smem:$0x3FAC] =	sst s9;
	s0 =	simm.s32 @!p0 $0x0  }
0x12: {  	s1 =	sld [smem:$0x3F92];
	s0 =	simm.s32 @p0 $0x1  }
0x13: {  	[smem:$0x3FAD] =	sst s0;
	s0 =	simm.s32 @!p1 $0x0  }
0x14: {  	s2 =	sld [smem:$0x3F91];
	s0 =	simm.s32 @p1 $0x1  }
0x15: {  	[smem:$0x3FAE] =	sst s0;
	s0 =	simm.s32 @!p2 $0x0  }
0x16: {  	s3 =	sld [smem:$0x3FDB];
	s0 =	simm.s32 @p2 $0x1  }
0x17: {  	s4 =	simm.s32 $0x1BF5;
	[smem:$0x3FB0] =	sst s0  }
0x18: {  	s0 =	sld [smem:$0x3F93];
	_ =	swait.ge [sflag:s4], $0x0  }
0x19: {  	s7 =	sld [smem:$0x3F94]  }
0x1a: {  	s8 =	sadd.s32 $0xFFFFE003, lr  }
0x1b: {  	s9 =	sadd.s32 $0xFFFFFEF7, lr;
	s5 =	simm.s32 $0xFFFFFFFF;
	p2 =	slt.u32 s8, $0xFFFFF086  }
0x1c: {  	p1 =	slt.u32 s9, $0xF7A;
	s5 =	simm.s32 @!p2 $0x0  }
0x1d: {  	s5 =	simm.s32 @p1 $0x1;
	p0 =	seq.s32 s7, s2  }
0x1e: {  	s7 =	smul.u32 @!p0 $0xF7A, s2;
	p2 =	seq.s32 @!p0 s5, $0x0  }
0x1f: {  	s9 =	smul.u32 $0xF7A, s1;
	s8 =	simm.s32 @!p0 $0x1BF5;
	p2 =	por !p2, p0  }
0x20: {  	[sflag:s8] =	ssyncset.s32 @!p0 $0xFFFFF086;
	s6 =	sadd.s32 @!p0 s3, s7;
	s7 =	simm.s32 @!p0 $0x108  }
0x21: {  	s3 =	sadd.s32 s3, s9;
	s6 =	sadd.s32 @!p0 $0x88, s6;
	s7 =	simm.s32 @p2 $0x1082  }
0x22: {  	[simem:s7], [sflag:s8] =	dma.local @!p0 [hbm:s6], $0xF7A  }
0x23: {  	s9 =	sor.u32 $0xD0000000, s2;
	s6 =	simm.s32 $0x108;
	_ =	swait.ge @!p0 [sflag:s8], $0x0  }
0x24: {  	s3 =	sadd.s32 $0x88, s3;
	s6 =	simm.s32 @!p1 $0x1082;
	[sflag:s4] =	ssyncset.s32 $0xFFFFF086  }
0x25: {  	[simem:s6], [sflag:s4] =	dma.local [hbm:s3], $0xF7A  }
0x26: {  	[smem:$0x3F94] =	sst s1;
	(tag) =	ssettag s2;
	_ =	strace s9  }
0x27: {  	s1 =	sld [smem:$0x3FA4]  }
0x28: {  	s2 =	sld [smem:$0x3FA5]  }
0x29: {  	s4 =	sld [smem:$0x3FA7]  }
0x2a: {  	p0 =	seq.s32 s5, $0x0;
	s5 =	sld [smem:$0x3FA8]  }
0x2b: {  	s6 =	sld [smem:$0x3FA9]  }
0x2c: {  	s7 =	sld [smem:$0x3FAA]  }
0x2d: {  	s3 =	simm.s32 $0x108;
	s8 =	sld [smem:$0x3FAB]  }
0x2e: {  	s3 =	simm.s32 @!p0 $0x1082;
	s9 =	sld [smem:$0x3FAC]  }
0x2f: {  	lr =	sadd.s32 s0, s3;
	s0 =	sld [smem:$0x3FA3]  }
0x30: {  	s3 =	sld [smem:$0x3FA6]  }
0x31: {  	[smem:$0x3FAF] =	sst s10  }
0x32: {  	s10 =	sld [smem:$0x3FAD];
	_ =	sdelay $0x3  }
0x33: {  	p0 =	seq.s32 s10, $0x1;
	s10 =	sld [smem:$0x3FAF];
	_ =	sdelay $0x3  }
0x34: {  	[smem:$0x3FAF] =	sst s10  }
0x35: {  	s10 =	sld [smem:$0x3FAE];
	_ =	sdelay $0x3  }
0x36: {  	p1 =	seq.s32 s10, $0x1;
	s10 =	sld [smem:$0x3FAF];
	_ =	sdelay $0x3  }
0x37: {  	[smem:$0x3FAF] =	sst s10  }
0x38: {  	s10 =	sld [smem:$0x3FB0]  }
0x39: {  	_ = 	snop;
	(pc) =	sbr.ind lr, $3  }
0x3a: {  	_ = 	snop  }
0x3b: {  	_ = 	snop  }
0x3c: {  	p2 =	seq.s32 s10, $0x1;
	s10 =	sld [smem:$0x3FAF]  }
0x3d: {  	_ =	shalt  }
0x3e: {  	_ =	shalt  }
0x3f: {  	_ =	shalt  }
0x40: {  	_ =	shalt  }
0x41: {  	_ =	shalt  }
0x42: {  	_ =	shalt  }
0x43: {  	_ =	shalt  }
0x44: {  	_ =	shalt  }
0x45: {  	_ =	shalt  }
0x46: {  	_ =	shalt  }
0x47: {  	_ =	shalt  }
0x48: {  	_ =	shalt  }
0x49: {  	_ =	shalt  }
0x4a: {  	_ =	shalt  }
0x4b: {  	_ =	shalt  }
0x4c: {  	_ =	shalt  }
0x4d: {  	_ =	shalt  }
0x4e: {  	_ =	shalt  }
0x4f: {  	_ =	shalt  }
0x50: {  	_ =	shalt  }
0x51: {  	_ =	shalt  }
0x52: {  	_ =	shalt  }
0x53: {  	_ =	shalt  }
0x54: {  	_ =	shalt  }
0x55: {  	_ =	shalt  }
0x56: {  	_ =	shalt  }
0x57: {  	_ =	shalt  }
0x58: {  	_ =	shalt  }
0x59: {  	_ =	shalt  }
0x5a: {  	_ =	shalt  }
0x5b: {  	_ =	shalt  }
0x5c: {  	_ =	shalt  }
0x5d: {  	_ =	shalt  }
0x5e: {  	_ =	shalt  }
0x5f: {  	_ =	shalt  }
0x60: {  	_ =	shalt  }
0x61: {  	_ =	shalt  }
0x62: {  	_ =	shalt  }
0x63: {  	_ =	shalt  }
0x64: {  	_ =	shalt  }
0x65: {  	_ =	shalt  }
0x66: {  	_ =	shalt  }
0x67: {  	_ =	shalt  }
0x68: {  	_ =	shalt  }
0x69: {  	_ =	shalt  }
0x6a: {  	_ =	shalt  }
0x6b: {  	_ =	shalt  }
0x6c: {  	_ =	shalt  }
0x6d: {  	_ =	shalt  }
0x6e: {  	_ =	shalt  }
0x6f: {  	_ =	shalt  }
0x70: {  	_ =	shalt  }
0x71: {  	_ =	shalt  }
0x72: {  	_ =	shalt  }
0x73: {  	_ =	shalt  }
0x74: {  	_ =	shalt  }
0x75: {  	_ =	shalt  }
0x76: {  	_ =	shalt  }
0x77: {  	_ =	shalt  }
0x78: {  	_ =	shalt  }
0x79: {  	_ =	shalt  }
0x7a: {  	_ =	shalt  }
0x7b: {  	_ =	shalt  }
0x7c: {  	_ =	shalt  }
0x7d: {  	_ =	shalt  }
0x7e: {  	_ =	shalt  }
0x7f: {  	_ =	shalt  }
0x80: {  	_ =	shalt  }
0x81: {  	_ =	shalt  }
0x82: {  	_ =	shalt  }
0x83: {  	_ =	shalt  }
0x84: {  	_ =	shalt  }
0x85: {  	_ =	shalt  }
0x86: {  	_ =	shalt  }
0x87: {  	_ =	shalt  }
.Lfunc_end0:
.L_simem_size_0:
called_computation_lowered:
.L_overlay_start_0:
0x88: {  	s2 =	sld [smem:$0x3FD9]  }
0x89: {  	s3 =	sld [smem:$0x3FFE];
	_ =	sdelay $0x1  }
0x8a: {  	s1 =	srdreg.scid  }
0x8b: {  	s0 =	sand.u32 $0x1, s1  }
0x8c: {  	s16 =	sshll.u32 s0, $0xA;
	s2 =	sadd.s32 s3, s2  }
0x8d: {  	s2 =	sadd.s32 s2, s16  }
0x8e: {  	[smem:$0x3FBB] =	sst s2  }
0x8f: {  	_ = 	snop  }
0x90: {  	(tm) =	ssettm $0x1  }
0x91: {  	s17 =	sld [smem:$0x3FFB];
	_ =	sdelay $0x3  }
0x92: {  	_ =	strace s17  }
0x93: {  	s2 =	sld [smem:$0x3FFC];
	_ =	sdelay $0x3  }
0x94: {  	_ =	strace s2  }
0x95: {  	s2 =	sld [smem:$0x3FFD];
	_ =	sdelay $0x3  }
0x96: {  	_ =	strace s2  }
0x97: {  	_ =	strace $0x8FFFFFFF  }
0x98: {  	s18 =	sld [smem:$0x3FDB];
	_ =	sdelay $0x1  }
0x99: {  	s19 =	simm.s32 $_scs_section_size  }
0x9a: {  	s4 =	simm.s32 $_size__tile_overlayer_lowered;
	s5 =	simm.s32 $_tile_overlayer_lowered  }
0x9b: {  	s22 =	simm.s32 $0x1BFF;
	s21 =	sshll.u32 s5, $0x1;
	s2 =	sadd.s32 s19, s18  }
0x9c: {  	s6 =	simm.s32 $0x0;
	s20 =	sshll.u32 s4, $0x1;
	s4 =	sadd.s32 s21, s2  }
0x9d: {  	[timem:s6], [sflag:s22] =	dma.local [hbm:s4], s20  }
0x9e: {  	_ =	swait.ge [sflag:s22], s20  }
0x9f: {  	s3 =	ssub.s32 $0x0, s20;
	[sflag:s22] =	ssyncset.done $0x0  }
0xa0: {  	[sflag:s22] =	ssyncadd.s32 s3;
	_ =	sdelay $0x1  }
0xa1: {  	s23 =	simm.s32 $0x1B8B  }
0xa2: {  	_ =	swait.ge [sflag:s23], $0x1  }
0xa3: {  	[sflag:s23] =	ssyncset.done $0x0  }
0xa4: {  	s25 =	simm.s32 $0x1B8E;
	s24 =	sld [smem:$0x3FFE];
	[sflag:s23] =	ssyncadd.s32 $0xFFFFFFFF  }
0xa5: {  	s26 =	simm.s32 $execute0_lowered;
	[smem:$0x3FD2] =	sst s25  }
0xa6: {  	s4 =	sshll.u32 s26, $0x1;
	_ =	strace $0x80000046;
	[dreg:$0x1] =	wrdreg $0xFFFFFFFF  }
0xa7: {  	s28 =	simm.s32 $_size_execute0_lowered;
	s2 =	sadd.s32 s2, s4;
	[dreg:$0x0] =	wrdreg $0x0  }
0xa8: {  	s4 =	sshll.u32 s28, $0x1;
	[dreg:$0x2] =	wrdreg s2  }
0xa9: {  	[dreg:$0x3] =	wrdreg s4  }
0xaa: {  	[dreg:$0x4] =	wrdreg $0xC0  }
0xab: {  	_ =	task [dreg:s6], $0x5FFFF  }
0xac: {  	[dreg:$0x1] =	wrdreg $0xFFFFFFFF  }
0xad: {  	[dreg:$0x0] =	wrdreg $0x60  }
0xae: {  	[dreg:$0x2] =	wrdreg s24  }
0xaf: {  	[dreg:$0x3] =	wrdreg $0x9  }
0xb0: {  	_ =	task.clear_ibuf [dreg:s6], $0x4FFFF;
	_ =	strace $0x90000046  }
0xb1: {  	s29 =	simm.s32 $0x9;
	_ =	strace $0x80000048  }
0xb2: {  	_ =	swait.ge [sflag:s29], $0x1  }
0xb3: {  	[sflag:s29] =	ssyncadd.s32 $0xFFFFFFFF  }
0xb4: {  	_ =	strace $0x90000048  }
0xb5: {  	_ =	sfence  }
0xb6: {  	s30 =	sld [smem:$0x0];
	_ =	sdelay $0x2  }
0xb7: {  	s31 =	sshll.u32 s1, $0xD;
	s1 =	sshrl.u32 s1, $0x2  }
0xb8: {  	s3 =	sand.u32 $0x4000, s31;
	s1 =	sadd.s32 s1, s30  }
0xb9: {  	s0 =	sor.u32 s3, s0;
	s1 =	sshll.u32 s1, $0x11  }
0xba: {  	s0 =	sor.u32 s1, s0  }
0xbb: {  	s0 =	sadd.s32 $0x8F2B, s0  }
0xbc: {  	[sflag:s0] =	ssyncadd.remote.s32 $0x1  }
0xbd: {  	_ =	sfence.sel $0xFFFF  }
0xbe: {  	[dreg:$0x0] =	wrdreg $0xFFFFFFFF;
	(pc) =	sbr.abs _section_cstart, $3  }
0xbf: {  	[dreg:$0x1] =	wrdreg $0xFFFFFFFF  }
0xc0: {  	_ =	task.clear_ibuf [dreg:s6], $0x2FFFF;
	_ =	strace $0x9FFFFFFF  }
0xc1: {  	(tm) =	ssettm $0x7FFFFFFF  }
tec
execute0_lowered:
.L_overlay_start_1:
0x0: {  	(tag) =	ssettag $0x1  }
0x1: {  	s1 =	srdreg.scid  }
0x2: {  	s0 =	stileid.u32;
	s4 =	rddreg [dreg:$0x0]  }
0x3: {  	s2 =	simm.s32 $0x0;
	s10 =	simm.s32 $0x6800;
	s11 =	simm.s32 $0xA800  }
0x4: {  	s12 =	simm.s32 $0xE800;
	s13 =	simm.s32 $0x12800;
	s14 =	simm.s32 $0x2  }
0x5: {  	s15 =	simm.s32 $0x3;
	s16 =	simm.s32 $0x4;
	s17 =	simm.s32 $0x5  }
0x6: {  	s18 =	simm.s32 $0x6;
	s19 =	simm.s32 $0x7;
	s20 =	simm.s32 $0x8  }
0x7: {  	s21 =	simm.s32 $0x9;
	s22 =	simm.s32 $0xA;
	s23 =	simm.s32 $0xB  }
0x8: {  	s24 =	simm.s32 $0x0;
	s5 =	sand.u32 $0x1, s1;
	s1 =	rddreg [dreg:$0x1]  }
0x9: {  	s3 =	sshll.u32 s0, $0x1;
	[smem:$0x7FF] =	sst s2;
	s7 =	smul.u32 $0x50000, s0  }
0xa: {  	s3 =	sor.u32 s5, s3;
	s8 =	ssub.s32 $0x2, s5;
	s5 =	smul.u32 $0x28000, s5  }
0xb: {  	_ =	strace $0x80000047;
	s6 =	smul.u32 $0x2800, s3;
	s9 =	sshrl.u32 s8, $0x1  }
0xc: {  	s3 =	sadd.s32 $0x35A00, s4;
	s7 =	sadd.s32 s7, s4;
	s31 =	ssub.s32 s8, s9  }
0xd: {  	s7 =	sadd.s32 s5, s7;
	s8 =	simm.s32 $0x80;
	s6 =	sshrl.u32 s6, $0x3  }
0xe: {  	s9 =	simm.s32 $0x2800;
	s5 =	smax.u32 s31, $0x1;
	s4 =	sadd.s32 s6, s4  }
0xf: {  	s6 =	sadd.s32 $0x5E600, s7;
	s7 =	simm.s32 $0x1;
	s4 =	sadd.s32 $0x3A00, s4  }
.LBB2_1:
0x10: {  	[tilespmem:s2], [sflag:$0x1] =	stream.linear.gather [hbm4b:s4+s2], $0x2800, $0x38;
	[tilespmem:$0x16800] =	vst v63  }
0x11: {  	_ =	swait.ge [sflag:s7], $0x2800  }
0x12: {  	[sflag:s7] =	ssyncset.done $0x0  }
0x13: {  	s25 =	simm.s32 $0x0;
	[sflag:s7] =	ssyncadd.s32 $0xFFFFD800  }
0x14: {  	[tilespmem:s9], [sflag:$0x2] =	stream.indirect.gather [hbm4b:s3+s8], $0x80, s25, s8, $0xb8;
	[tilespmem:$0x16800] =	vst v63  }
0x15: {  	s29 =	simm.s32 $0x80  }
0x16: {  	[tilespmem:s10], [sflag:$0x3] =	stream.indirect.gather [hbm4b:s3+s8], $0x80, s29, s8, $0xb8;
	[tilespmem:$0x16800] =	vst v63  }
0x17: {  	s30 =	simm.s32 $0x100  }
0x18: {  	[tilespmem:s11], [sflag:$0x4] =	stream.indirect.gather [hbm4b:s3+s8], $0x80, s30, s8, $0xb8;
	[tilespmem:$0x16800] =	vst v63  }
0x19: {  	s31 =	simm.s32 $0x180  }
0x1a: {  	[tilespmem:s12], [sflag:$0x5] =	stream.indirect.gather [hbm4b:s3+s8], $0x80, s31, s8, $0xb8;
	[tilespmem:$0x16800] =	vst v63  }
0x1b: {  	s26 =	simm.s32 $0x200  }
0x1c: {  	[tilespmem:s13], [sflag:$0x6] =	stream.indirect.gather [hbm4b:s3+s8], $0x80, s26, s8, $0xb8;
	[tilespmem:$0x16800] =	vst v63  }
0x1d: {  	_ =	swait.ge [sflag:s14], $0x4000  }
0x1e: {  	[sflag:s14] =	ssyncset.done $0x0  }
0x1f: {  	s29 =	sadd.s32 $0x0, s6;
	[sflag:s14] =	ssyncadd.s32 $0xFFFFC000  }
0x20: {  	[hbm4b:s29+s2] =	stream.linear.scatter [tilespmem:s9], [sflag:$0x7], $0x4000, $0x38;
	[tilespmem:$0x16800] =	vst v63  }
0x21: {  	_ =	swait.ge [sflag:s15], $0x4000  }
0x22: {  	[sflag:s15] =	ssyncset.done $0x0  }
0x23: {  	s26 =	sadd.s32 $0x800, s29;
	[sflag:s15] =	ssyncadd.s32 $0xFFFFC000  }
0x24: {  	[hbm4b:s26+s2] =	stream.linear.scatter [tilespmem:s10], [sflag:$0x8], $0x4000, $0x38;
	[tilespmem:$0x16800] =	vst v63  }
0x25: {  	_ =	swait.ge [sflag:s16], $0x4000  }
0x26: {  	[sflag:s16] =	ssyncset.done $0x0  }
0x27: {  	s30 =	sadd.s32 $0x1000, s29;
	[sflag:s16] =	ssyncadd.s32 $0xFFFFC000  }
0x28: {  	[hbm4b:s30+s2] =	stream.linear.scatter [tilespmem:s11], [sflag:$0x9], $0x4000, $0x38;
	[tilespmem:$0x16800] =	vst v63  }
0x29: {  	_ =	swait.ge [sflag:s17], $0x4000  }
0x2a: {  	[sflag:s17] =	ssyncset.done $0x0  }
0x2b: {  	s31 =	sadd.s32 $0x1800, s29;
	[sflag:s17] =	ssyncadd.s32 $0xFFFFC000  }
0x2c: {  	[hbm4b:s31+s2] =	stream.linear.scatter [tilespmem:s12], [sflag:$0xA], $0x4000, $0x38;
	[tilespmem:$0x16800] =	vst v63  }
0x2d: {  	_ =	swait.ge [sflag:s18], $0x4000  }
0x2e: {  	[sflag:s18] =	ssyncset.done $0x0  }
0x2f: {  	s25 =	sadd.s32 $0x2000, s29;
	[sflag:s18] =	ssyncadd.s32 $0xFFFFC000  }
0x30: {  	[hbm4b:s25+s2] =	stream.linear.scatter [tilespmem:s13], [sflag:$0xB], $0x4000, $0x38;
	[tilespmem:$0x16800] =	vst v63  }
0x31: {  	_ =	swait.ge [sflag:s19], $0x4000  }
0x32: {  	[sflag:s19] =	ssyncset.done $0x0  }
0x33: {  	[sflag:s19] =	ssyncadd.s32 $0xFFFFC000  }
0x34: {  	_ =	swait.ge [sflag:s20], $0x4000  }
0x35: {  	[sflag:s20] =	ssyncset.done $0x0  }
0x36: {  	[sflag:s20] =	ssyncadd.s32 $0xFFFFC000  }
0x37: {  	_ =	swait.ge [sflag:s21], $0x4000  }
0x38: {  	[sflag:s21] =	ssyncset.done $0x0  }
0x39: {  	[sflag:s21] =	ssyncadd.s32 $0xFFFFC000  }
0x3a: {  	_ =	swait.ge [sflag:s22], $0x4000  }
0x3b: {  	[sflag:s22] =	ssyncset.done $0x0  }
0x3c: {  	[sflag:s22] =	ssyncadd.s32 $0xFFFFC000  }
0x3d: {  	s28 =	simm.s32 $0x5000;
	_ =	swait.ge [sflag:s23], $0x4000  }
0x3e: {  	s26 =	simm.s32 $0x480;
	s25 =	simm.s32 $0x2800;
	[sflag:s23] =	ssyncset.done $0x0  }
.LBB2_2:
0x3f: {  	p0 =	sne.s32 s28, $0x25800;
	s29 =	sadd.s32 $0xFFFFFE00, s26;
	[sflag:s23] =	ssyncadd.s32 $0xFFFFC000  }
0x40: {  	[tilespmem:s9], [sflag:$0x2] =	stream.indirect.gather [hbm4b:s3+s8], $0x80, s29, s8, $0xb8;
	[tilespmem:$0x16800] =	vst v63  }
0x41: {  	s30 =	smov.u32 s28;
	s28 =	sadd.s32 $0x2800, s28;
	s29 =	sadd.s32 $0xFFFFFE80, s26  }
0x42: {  	[tilespmem:s10], [sflag:$0x3] =	stream.indirect.gather [hbm4b:s3+s8], $0x80, s29, s8, $0xb8;
	[tilespmem:$0x16800] =	vst v63  }
0x43: {  	s29 =	sadd.s32 $0xFFFFFF00, s26  }
0x44: {  	[tilespmem:s11], [sflag:$0x4] =	stream.indirect.gather [hbm4b:s3+s8], $0x80, s29, s8, $0xb8;
	[tilespmem:$0x16800] =	vst v63  }
0x45: {  	s29 =	sadd.s32 $0xFFFFFF80, s26  }
0x46: {  	[tilespmem:s12], [sflag:$0x5] =	stream.indirect.gather [hbm4b:s3+s8], $0x80, s29, s8, $0xb8;
	[tilespmem:$0x16800] =	vst v63  }
0x47: {  	_ = 	snop  }
0x48: {  	[tilespmem:s13], [sflag:$0x6] =	stream.indirect.gather [hbm4b:s3+s8], $0x80, s26, s8, $0xb8;
	[tilespmem:$0x16800] =	vst v63  }
0x49: {  	_ =	swait.ge [sflag:s14], $0x4000  }
0x4a: {  	[sflag:s14] =	ssyncset.done $0x0  }
0x4b: {  	s29 =	sadd.s32 s25, s6;
	s25 =	smov.u32 s30;
	[sflag:s14] =	ssyncadd.s32 $0xFFFFC000  }
0x4c: {  	[hbm4b:s29+s2] =	stream.linear.scatter [tilespmem:s9], [sflag:$0x7], $0x4000, $0x38;
	[tilespmem:$0x16800] =	vst v63  }
0x4d: {  	_ =	swait.ge [sflag:s15], $0x4000  }
0x4e: {  	[sflag:s15] =	ssyncset.done $0x0  }
0x4f: {  	s30 =	sadd.s32 $0x800, s29;
	[sflag:s15] =	ssyncadd.s32 $0xFFFFC000  }
0x50: {  	[hbm4b:s30+s2] =	stream.linear.scatter [tilespmem:s10], [sflag:$0x8], $0x4000, $0x38;
	[tilespmem:$0x16800] =	vst v63  }
0x51: {  	_ =	swait.ge [sflag:s16], $0x4000  }
0x52: {  	[sflag:s16] =	ssyncset.done $0x0  }
0x53: {  	s30 =	sadd.s32 $0x1000, s29;
	[sflag:s16] =	ssyncadd.s32 $0xFFFFC000  }
0x54: {  	[hbm4b:s30+s2] =	stream.linear.scatter [tilespmem:s11], [sflag:$0x9], $0x4000, $0x38;
	[tilespmem:$0x16800] =	vst v63  }
0x55: {  	_ =	swait.ge [sflag:s17], $0x4000  }
0x56: {  	[sflag:s17] =	ssyncset.done $0x0  }
0x57: {  	s30 =	sadd.s32 $0x1800, s29;
	[sflag:s17] =	ssyncadd.s32 $0xFFFFC000  }
0x58: {  	[hbm4b:s30+s2] =	stream.linear.scatter [tilespmem:s12], [sflag:$0xA], $0x4000, $0x38;
	[tilespmem:$0x16800] =	vst v63  }
0x59: {  	_ =	swait.ge [sflag:s18], $0x4000  }
0x5a: {  	[sflag:s18] =	ssyncset.done $0x0  }
0x5b: {  	s29 =	sadd.s32 $0x2000, s29;
	[sflag:s18] =	ssyncadd.s32 $0xFFFFC000  }
0x5c: {  	[hbm4b:s29+s2] =	stream.linear.scatter [tilespmem:s13], [sflag:$0xB], $0x4000, $0x38;
	[tilespmem:$0x16800] =	vst v63  }
0x5d: {  	_ =	swait.ge [sflag:s19], $0x4000  }
0x5e: {  	[sflag:s19] =	ssyncset.done $0x0  }
0x5f: {  	[sflag:s19] =	ssyncadd.s32 $0xFFFFC000  }
0x60: {  	_ =	swait.ge [sflag:s20], $0x4000  }
0x61: {  	[sflag:s20] =	ssyncset.done $0x0  }
0x62: {  	[sflag:s20] =	ssyncadd.s32 $0xFFFFC000  }
0x63: {  	_ =	swait.ge [sflag:s21], $0x4000  }
0x64: {  	[sflag:s21] =	ssyncset.done $0x0  }
0x65: {  	[sflag:s21] =	ssyncadd.s32 $0xFFFFC000  }
.Ltmp0:
0x66: {  	_ =	swait.ge [sflag:s22], $0x4000;
	(pc) =	sbr.rel @p0 .LBB2_2-.Ltmp0, $4  }
0x67: {  	[sflag:s22] =	ssyncset.done $0x0  }
0x68: {  	[sflag:s22] =	ssyncadd.s32 $0xFFFFC000  }
0x69: {  	_ =	swait.ge [sflag:s23], $0x4000  }
0x6a: {  	s26 =	sadd.s32 $0x280, s26;
	[sflag:s23] =	ssyncset.done $0x0  }
0x6b: {  	s28 =	sadd.s32 $0xFFFFFE00, s26;
	[sflag:s23] =	ssyncadd.s32 $0xFFFFC000  }
0x6c: {  	[tilespmem:s9], [sflag:$0x2] =	stream.indirect.gather [hbm4b:s3+s8], $0x80, s28, s8, $0xb8;
	[tilespmem:$0x16800] =	vst v63  }
0x6d: {  	s29 =	sadd.s32 $0xFFFFFE80, s26  }
0x6e: {  	[tilespmem:s10], [sflag:$0x3] =	stream.indirect.gather [hbm4b:s3+s8], $0x80, s29, s8, $0xb8;
	[tilespmem:$0x16800] =	vst v63  }
0x6f: {  	s30 =	sadd.s32 $0xFFFFFF00, s26  }
0x70: {  	[tilespmem:s11], [sflag:$0x4] =	stream.indirect.gather [hbm4b:s3+s8], $0x80, s30, s8, $0xb8;
	[tilespmem:$0x16800] =	vst v63  }
0x71: {  	s31 =	sadd.s32 $0xFFFFFF80, s26  }
0x72: {  	[tilespmem:s12], [sflag:$0x5] =	stream.indirect.gather [hbm4b:s3+s8], $0x80, s31, s8, $0xb8;
	[tilespmem:$0x16800] =	vst v63  }
0x73: {  	_ = 	snop  }
0x74: {  	[tilespmem:s13], [sflag:$0x6] =	stream.indirect.gather [hbm4b:s3+s8], $0x80, s26, s8, $0xb8;
	[tilespmem:$0x16800] =	vst v63  }
0x75: {  	_ =	swait.ge [sflag:s14], $0x4000  }
0x76: {  	[sflag:s14] =	ssyncset.done $0x0  }
0x77: {  	s25 =	sadd.s32 s25, s6;
	[sflag:s14] =	ssyncadd.s32 $0xFFFFC000  }
0x78: {  	[hbm4b:s25+s2] =	stream.linear.scatter [tilespmem:s9], [sflag:$0x7], $0x4000, $0x38;
	[tilespmem:$0x16800] =	vst v63  }
0x79: {  	_ =	swait.ge [sflag:s15], $0x4000  }
0x7a: {  	[sflag:s15] =	ssyncset.done $0x0  }
0x7b: {  	s29 =	sadd.s32 $0x800, s25;
	[sflag:s15] =	ssyncadd.s32 $0xFFFFC000  }
0x7c: {  	[hbm4b:s29+s2] =	stream.linear.scatter [tilespmem:s10], [sflag:$0x8], $0x4000, $0x38;
	[tilespmem:$0x16800] =	vst v63  }
0x7d: {  	_ =	swait.ge [sflag:s16], $0x4000  }
0x7e: {  	[sflag:s16] =	ssyncset.done $0x0  }
0x7f: {  	s30 =	sadd.s32 $0x1000, s25;
	[sflag:s16] =	ssyncadd.s32 $0xFFFFC000  }
0x80: {  	[hbm4b:s30+s2] =	stream.linear.scatter [tilespmem:s11], [sflag:$0x9], $0x4000, $0x38;
	[tilespmem:$0x16800] =	vst v63  }
0x81: {  	_ =	swait.ge [sflag:s17], $0x4000  }
0x82: {  	[sflag:s17] =	ssyncset.done $0x0  }
0x83: {  	s31 =	sadd.s32 $0x1800, s25;
	[sflag:s17] =	ssyncadd.s32 $0xFFFFC000  }
0x84: {  	[hbm4b:s31+s2] =	stream.linear.scatter [tilespmem:s12], [sflag:$0xA], $0x4000, $0x38;
	[tilespmem:$0x16800] =	vst v63  }
0x85: {  	_ =	swait.ge [sflag:s18], $0x4000  }
0x86: {  	[sflag:s18] =	ssyncset.done $0x0  }
0x87: {  	s25 =	sadd.s32 $0x2000, s25;
	[sflag:s18] =	ssyncadd.s32 $0xFFFFC000  }
0x88: {  	[hbm4b:s25+s2] =	stream.linear.scatter [tilespmem:s13], [sflag:$0xB], $0x4000, $0x38;
	[tilespmem:$0x16800] =	vst v63  }
0x89: {  	_ =	swait.ge [sflag:s19], $0x4000  }
0x8a: {  	[sflag:s19] =	ssyncset.done $0x0  }
0x8b: {  	[sflag:s19] =	ssyncadd.s32 $0xFFFFC000  }
0x8c: {  	_ =	swait.ge [sflag:s20], $0x4000  }
0x8d: {  	[sflag:s20] =	ssyncset.done $0x0  }
0x8e: {  	[sflag:s20] =	ssyncadd.s32 $0xFFFFC000  }
0x8f: {  	_ =	swait.ge [sflag:s21], $0x4000  }
0x90: {  	[sflag:s21] =	ssyncset.done $0x0  }
0x91: {  	s24 =	sadd.s32 $0x1, s24;
	[sflag:s21] =	ssyncadd.s32 $0xFFFFC000  }
0x92: {  	p0 =	sne.s32 s24, s5;
	_ =	swait.ge [sflag:s22], $0x4000  }
.Ltmp1:
0x93: {  	[sflag:s22] =	ssyncset.done $0x0;
	(pc) =	sbr.rel @p0 .LBB2_1-.Ltmp1, $4  }
0x94: {  	[sflag:s22] =	ssyncadd.s32 $0xFFFFC000  }
0x95: {  	_ =	swait.ge [sflag:s23], $0x4000  }
0x96: {  	[sflag:s23] =	ssyncset.done $0x0  }
0x97: {  	[sflag:s23] =	ssyncadd.s32 $0xFFFFC000  }
0x98: {  	_ =	sfence.sel $0x180000  }
0x99: {  	[bflag:$0x0] =	sbarrier.arrive $0xFFFF  }
0x9a: {  	p0 =	sne.s32 s0, $0x0;
	_ =	strace $0x90000047  }
0x9b: {  	s0 =	sadd.s32 @!p0 $0x100000, s1;
	[bflag:$0x2] =	sbarrier.arrive $0xFFFF  }
0x9c: {  	[sflag:s0] =	ssyncadd.tile.s32 @!p0 $0x1;
	_ =	shalt  }
.Lfunc_end2:
_tile_overlayer_lowered:
.L_overlay_start_2:
0x9d: {  	(tag) =	ssettag $0x2  }
0x9e: {  	s0 =	rddreg [dreg:$0x0];
	s2 =	stileid.u32  }
0x9f: {  	s1 =	rddreg [dreg:$0x1];
	p0 =	sne.s32 s2, $0x0  }
0xa0: {  	s3 =	rddreg [dreg:$0x2];
	[bflag:$0x3] =	sbarrier.arrive $0xFFFF;
	s2 =	simm.s32 @!p0 $0x1C0C  }
0xa1: {  	[timem:s3], [sflag:s2] =	dma.local @!p0 [hbm:s0], s1  }
0xa2: {  	s0 =	simm.s32 @!p0 $0xC  }
0xa3: {  	_ =	swait.ge @!p0 [sflag:s0], s1  }
0xa4: {  	s1 =	ssub.s32 @!p0 $0x0, s1;
	[sflag:s0] =	ssyncset.done @!p0 $0x0  }
0xa5: {  	[sflag:s0] =	ssyncadd.s32 @!p0 s1  }
0xa6: {  	[bflag:$0x3] =	sbarrier.arrive $0xFFFF  }
0xa7: {  	_ =	shalt  }

</sc_bundles>
